<compile_context>
chip_gen: v7x
topology: tpu7x:2x2x1
jax: 0.10.2.dev20260603
libtpu: 0.0.44.dev20260713+nightly
codegen_flags: <defaults>
</compile_context>

<pallas_src>
import functools

import jax
import jax.numpy as jnp
from jax import lax
from jax.experimental import pallas as pl
from jax.experimental.pallas import tpu as pltpu
from jax.experimental.pallas import tpu_sc as plsc

_B, _T, _D = 1, 2048, 768
_H = 1536
_E = 64
_N = _B * _T
_BT = 64
_BMAX = 95
_S = _BMAX * _BT
_RC = 256

_NC, _NS = 2, 16
_NW = _NC * _NS
_CHUNK = _N // _NW



def _router_body(x_ref, wr_ref, dest_ref, w16_ref, be_ref, valid_ref, xb_ref,
                 aux_ref):
    x = x_ref[...]
    wr = wr_ref[...]
    logits = lax.dot_general(
        x, wr, (((1,), (0,)), ((), ())),
        preferred_element_type=jnp.float32)
    m = jnp.max(logits, axis=-1, keepdims=True)
    p = jnp.exp(logits - m)
    s = jnp.sum(p, axis=-1, keepdims=True)
    probs = p / s

    top_val = jnp.max(probs, axis=-1)
    iota_e = lax.broadcasted_iota(jnp.int32, (_N, _E), 1)
    top_idx = jnp.min(jnp.where(probs >= top_val[:, None], iota_e, _E), axis=-1)
    oh = (iota_e == top_idx[:, None]).astype(jnp.float32)
    counts = jnp.sum(oh, axis=0)

    w = top_val / (top_val + 1e-9)
    w16_ref[...] = jnp.broadcast_to(w[:, None], (_N, 128))

    mean_probs = jnp.sum(probs, axis=0) * (1.0 / _N)
    aux = _E * jnp.sum((counts * (1.0 / _N)) * mean_probs)
    aux_ref[...] = jnp.reshape(aux, (1, 1))

    nb = jnp.floor((counts + (_BT - 1)) * (1.0 / _BT))
    e_i = lax.broadcasted_iota(jnp.int32, (_E, _E), 0).astype(jnp.float32)
    e_j = lax.broadcasted_iota(jnp.int32, (_E, _E), 1).astype(jnp.float32)
    up = (e_i < e_j).astype(jnp.float32)
    off_blk = lax.dot_general(
        nb[None, :], up, (((1,), (0,)), ((), ())),
        preferred_element_type=jnp.float32,
        precision=lax.Precision.HIGHEST)[0]
    po = off_blk * _BT

    b_i = lax.broadcasted_iota(jnp.int32, (_BMAX, _E), 0).astype(jnp.float32)
    in_e = (b_i >= off_blk[None, :]) & (b_i < (off_blk + nb)[None, :])
    be_e = lax.broadcasted_iota(jnp.int32, (_BMAX, _E), 1).astype(jnp.float32)
    be_raw = jnp.sum(jnp.where(in_e, be_e, 0.0), axis=1)
    used = jnp.sum(in_e.astype(jnp.float32), axis=1)
    e_1d = lax.broadcasted_iota(jnp.int32, (1, _E), 1).astype(jnp.float32)[0]
    last_e = jnp.max(jnp.where(counts > 0, e_1d, -1.0))
    be = jnp.where(used > 0, be_raw, last_e)
    be_ref[...] = be[None, :].astype(jnp.int32)
    valid_ref[...] = used[None, :].astype(jnp.int32)
    total = jnp.sum(nb)
    b_1d = lax.broadcasted_iota(jnp.int32, (1, _BMAX), 1).astype(jnp.float32)[0]
    xb = jnp.where(used > 0, b_1d, total - 1.0)
    xb_ref[...] = xb[None, :].astype(jnp.int32)

    c_i = lax.broadcasted_iota(jnp.int32, (_RC, _RC), 0).astype(jnp.float32)
    c_j = lax.broadcasted_iota(jnp.int32, (_RC, _RC), 1).astype(jnp.float32)
    tri = (c_j < c_i).astype(jnp.float32)
    base = jnp.zeros((_E,), jnp.float32)
    for c in range(_N // _RC):
        oh_c = oh[c * _RC:(c + 1) * _RC]
        within = lax.dot_general(
            tri, oh_c, (((1,), (0,)), ((), ())),
            preferred_element_type=jnp.float32,
            precision=lax.Precision.HIGHEST)
        slot = jnp.sum(oh_c * ((po + base)[None, :] + within), axis=1)
        dest_ref[c, :] = slot.astype(jnp.int32)
        base = base + jnp.sum(oh_c, axis=0)


_router = pl.pallas_call(
    _router_body,
    out_shape=[
        jax.ShapeDtypeStruct((_N // _RC, _RC), jnp.int32),
        jax.ShapeDtypeStruct((_N, 128), jnp.float32),
        jax.ShapeDtypeStruct((1, _BMAX), jnp.int32),
        jax.ShapeDtypeStruct((1, _BMAX), jnp.int32),
        jax.ShapeDtypeStruct((1, _BMAX), jnp.int32),
        jax.ShapeDtypeStruct((1, 1), jnp.float32),
    ],
)



@functools.lru_cache(maxsize=None)
def _sc_kernels():
    mesh = plsc.VectorSubcoreMesh(
        core_axis_name="c", subcore_axis_name="s",
        num_cores=_NC, num_subcores=_NS)

    @functools.partial(
        pl.kernel,
        mesh=mesh,
        out_type=[
            jax.ShapeDtypeStruct((_S, _D), jnp.float32),
            jax.ShapeDtypeStruct((_S, 128), jnp.float32),
        ],
        scratch_types=[
            pltpu.VMEM((_CHUNK,), jnp.int32),
            pltpu.VMEM((_CHUNK, _D), jnp.float32),
            pltpu.VMEM((_CHUNK, 128), jnp.float32),
            pltpu.SemaphoreType.DMA,
            pltpu.SemaphoreType.DMA,
        ],
    )
    def dispatch(xf_hbm, w16_hbm, dest_hbm, xps_hbm, wps_hbm,
                 dest_v, rows_v, w_v, sem1, sem2):
        wid = lax.axis_index("s") * _NC + lax.axis_index("c")
        base = wid * _CHUNK
        pltpu.sync_copy(dest_hbm.at[pl.ds(base, _CHUNK)], dest_v)
        pltpu.sync_copy(xf_hbm.at[pl.ds(base, _CHUNK)], rows_v)
        pltpu.sync_copy(w16_hbm.at[pl.ds(base, _CHUNK)], w_v)
        c1 = pltpu.async_copy(rows_v, xps_hbm.at[dest_v], sem1)
        c2 = pltpu.async_copy(w_v, wps_hbm.at[dest_v], sem2)
        c1.wait()
        c2.wait()

    @functools.partial(
        pl.kernel,
        mesh=mesh,
        out_type=jax.ShapeDtypeStruct((_N, _D), jnp.float32),
        scratch_types=[
            pltpu.VMEM((_CHUNK,), jnp.int32),
            pltpu.VMEM((_CHUNK, _D), jnp.float32),
            pltpu.SemaphoreType.DMA,
        ],
    )
    def combine(dest_hbm, yps_hbm, out_hbm, dest_v, rows_v, sem):
        wid = lax.axis_index("s") * _NC + lax.axis_index("c")
        base = wid * _CHUNK
        pltpu.sync_copy(dest_hbm.at[pl.ds(base, _CHUNK)], dest_v)
        pltpu.async_copy(yps_hbm.at[dest_v], rows_v, sem).wait()
        pltpu.sync_copy(rows_v, out_hbm.at[pl.ds(base, _CHUNK)])

    return dispatch, combine



def _ffn_body(be_ref, valid_ref, xb_ref, x_ref, w_ref, w1_ref, w2_ref, w3_ref,
              y_ref):
    b = pl.program_id(0)

    @pl.when(valid_ref[b] != 0)
    def _():
        x = x_ref[...]
        a = jnp.dot(x, w1_ref[0], preferred_element_type=jnp.float32)
        g = a * jax.nn.sigmoid(a)
        h = g * jnp.dot(x, w2_ref[0], preferred_element_type=jnp.float32)
        y = jnp.dot(h, w3_ref[0], preferred_element_type=jnp.float32)
        y_ref[...] = y * w_ref[:, 0:1]


_ffn = pl.pallas_call(
    _ffn_body,
    grid_spec=pltpu.PrefetchScalarGridSpec(
        num_scalar_prefetch=3,
        grid=(_BMAX,),
        in_specs=[
            pl.BlockSpec((_BT, _D), lambda b, be, vld, xb: (xb[b], 0)),
            pl.BlockSpec((_BT, 128), lambda b, be, vld, xb: (xb[b], 0)),
            pl.BlockSpec((1, _D, _H), lambda b, be, vld, xb: (be[b], 0, 0)),
            pl.BlockSpec((1, _D, _H), lambda b, be, vld, xb: (be[b], 0, 0)),
            pl.BlockSpec((1, _H, _D), lambda b, be, vld, xb: (be[b], 0, 0)),
        ],
        out_specs=pl.BlockSpec((_BT, _D), lambda b, be, vld, xb: (xb[b], 0)),
    ),
    out_shape=jax.ShapeDtypeStruct((_S, _D), jnp.float32),
    compiler_params=pltpu.CompilerParams(
        dimension_semantics=("arbitrary",),
        vmem_limit_bytes=100 * 1024 * 1024,
    ),
)



@jax.jit
def kernel(x, Wr, W1, W2, W3):
    dispatch, combine = _sc_kernels()
    xf = x.reshape(_N, _D)
    dest2d, w16, be, valid, xb, aux = _router(xf, Wr)
    dest = dest2d.reshape(_N)
    x_ps, w_ps = dispatch(xf, w16, dest)
    y_ps = _ffn(be.reshape(_BMAX), valid.reshape(_BMAX), xb.reshape(_BMAX),
                x_ps, w_ps, W1, W2, W3)
    out = combine(dest, y_ps)
    return out.reshape(_B, _T, _D), aux[0, 0]

# --- scband reference (transcript-rebuilt; emitter-appended) ---
"""Pipeline reference for scband-ternary-mo-efeed-forward-5918464934125 (READ-ONLY COPY).

The authoritative reference and input builder live on the scoring server;
editing this copy changes nothing except your own understanding.
"""

import jax, jax.numpy as jnp
import numpy as np

B = 1
T = 2048
D_MODEL = 768
FFN_MULT = 2
D_HIDDEN = FFN_MULT * D_MODEL
N_EXPERTS = 64
TOP_K = 1


def setup_inputs(seed: int = 0) -> dict:
    key = jax.random.key(seed)
    ks = jax.random.split(key, 5)
    x = jax.random.normal(ks[0], (B, T, D_MODEL), dtype=jnp.float32)
    Wr = jax.random.normal(ks[1], (D_MODEL, N_EXPERTS), dtype=jnp.float32) * 0.02
    W1 = jax.random.normal(ks[2], (N_EXPERTS, D_MODEL, D_HIDDEN), dtype=jnp.float32) * 0.02
    W2 = jax.random.normal(ks[3], (N_EXPERTS, D_MODEL, D_HIDDEN), dtype=jnp.float32) * 0.02
    W3 = jax.random.normal(ks[4], (N_EXPERTS, D_HIDDEN, D_MODEL), dtype=jnp.float32) * 0.02
    return {"x": x, "Wr": Wr, "W1": W1, "W2": W2, "W3": W3}


def reference(x, Wr, W1, W2, W3):
    Bb, Tt, D = x.shape
    N = Bb * Tt
    xf = x.reshape(N, D)
    # Router (TopExpertsRouter)
    logits = xf @ Wr
    probs = jax.nn.softmax(logits, axis=-1)
    top_val, top_idx = jax.lax.top_k(probs, TOP_K)
    weights = top_val / (top_val.sum(axis=-1, keepdims=True) + 1e-9)
    # Expert dispatch (masked per-expert compute, like the torch loop)
    out = jnp.zeros_like(xf)
    for k in range(TOP_K):
        w_k = weights[:, k]
        for e in range(N_EXPERTS):
            mask = (top_idx[:, k] == e).astype(xf.dtype)
            # TernarySwiGLU depth=1: silu(w1 x) * (w2 x) -> w3
            h = jax.nn.silu(xf @ W1[e]) * (xf @ W2[e])
            y = h @ W3[e]
            out = out + (mask * w_k)[:, None] * y
    out = out.reshape(Bb, Tt, D)
    # aux load-balancing loss
    top1 = top_idx[:, 0]
    counts = jnp.bincount(top1, length=N_EXPERTS).astype(jnp.float32) / max(N, 1)
    aux = N_EXPERTS * jnp.sum(counts * probs.mean(axis=0))
    return (out, aux)

if __name__ == "__main__":
    import jax
    _d = setup_inputs()
    print(jax.jit(kernel)(*tuple(_d.values())))

</pallas_src>

<mosaic_0001>
#map = affine_map<(d0, d1) -> (0, 0)>
#map1 = affine_map<(d0, d1) -> (0)>
module attributes {stable_mosaic.version = 14 : i64} {
  func.func @dispatch(%arg0: i32, %arg1: i32, %arg2: memref<2048x768xf32, #tpu.memory_space<hbm>>, %arg3: memref<2048x128xf32, #tpu.memory_space<hbm>>, %arg4: memref<2048xi32, #tpu.memory_space<hbm>>, %arg5: memref<6080x768xf32, #tpu.memory_space<hbm>>, %arg6: memref<6080x128xf32, #tpu.memory_space<hbm>>, %arg7: memref<64xi32, #tpu.memory_space<vmem>>, %arg8: memref<64x768xf32, #tpu.memory_space<vmem>>, %arg9: memref<64x128xf32, #tpu.memory_space<vmem>>, %arg10: memref<!tpu.dma_semaphore, #tpu.memory_space<semaphore_mem>>, %arg11: memref<!tpu.dma_semaphore, #tpu.memory_space<semaphore_mem>>) attributes {dimension_semantics = [#tpu.dimension_semantics<core_parallel>, #tpu.dimension_semantics<subcore_parallel>], iteration_bounds = array<i64: 2, 16>, scalar_prefetch = 0 : i64, scratch_operands = 5 : i64, tpu.core_type = #tpu.core_type<sc_vector_subcore>, window_params = [{transform_indices = #map}, {transform_indices = #map}, {transform_indices = #map1}, {transform_indices = #map}, {transform_indices = #map}]} {
    %mul3A = arith.constant 2 : i32
    %mul3A_0 = arith.muli %arg1, %mul3A : i32
    %add3A = arith.addi %mul3A_0, %arg0 : i32
    %mul3A_1 = arith.constant 64 : i32
    %mul3A_2 = arith.muli %add3A, %mul3A_1 : i32
    "tpu.region"() ({
      %run_scoped3A = tpu.sem_alloc : memref<!tpu.dma_semaphore, #tpu.memory_space<semaphore_mem>>
      %dma_start3A_13 = tpu.memref_slice %arg4[%mul3A_2] : memref<2048xi32, #tpu.memory_space<hbm>> -> memref<64xi32, #tpu.memory_space<hbm>>
      %dma_start3A_14 = tpu.memref_slice %arg4[%mul3A_2] : memref<2048xi32, #tpu.memory_space<hbm>> -> memref<64xi32, #tpu.memory_space<hbm>>
      tpu.enqueue_dma source(%dma_start3A_14 : memref<64xi32, #tpu.memory_space<hbm>>) target(%arg7 : memref<64xi32, #tpu.memory_space<vmem>>) target_semaphore(%run_scoped3A : memref<!tpu.dma_semaphore, #tpu.memory_space<semaphore_mem>>)
      %dma_wait3A_15 = tpu.memref_slice %arg4[%mul3A_2] : memref<2048xi32, #tpu.memory_space<hbm>> -> memref<64xi32, #tpu.memory_space<hbm>>
      %dma_wait3A_16 = tpu.memref_slice %arg4[%mul3A_2] : memref<2048xi32, #tpu.memory_space<hbm>> -> memref<64xi32, #tpu.memory_space<hbm>>
      tpu.wait_dma2 semaphore(%run_scoped3A : memref<!tpu.dma_semaphore, #tpu.memory_space<semaphore_mem>>) src(%dma_wait3A_16 : memref<64xi32, #tpu.memory_space<hbm>>) dst(%arg7 : memref<64xi32, #tpu.memory_space<vmem>>)
      tpu.yield
    }) : () -> ()
    "tpu.region"() ({
      %run_scoped3A = tpu.sem_alloc : memref<!tpu.dma_semaphore, #tpu.memory_space<semaphore_mem>>
      %dma_start3A_13 = arith.constant 0 : i32
      %dma_start3A_14 = tpu.memref_slice %arg2[%mul3A_2, %dma_start3A_13] : memref<2048x768xf32, #tpu.memory_space<hbm>> -> memref<64x768xf32, #tpu.memory_space<hbm>>
      %dma_start3A_15 = arith.constant 0 : i32
      %dma_start3A_16 = tpu.memref_slice %arg2[%mul3A_2, %dma_start3A_15] : memref<2048x768xf32, #tpu.memory_space<hbm>> -> memref<64x768xf32, #tpu.memory_space<hbm>>
      tpu.enqueue_dma source(%dma_start3A_16 : memref<64x768xf32, #tpu.memory_space<hbm>>) target(%arg8 : memref<64x768xf32, #tpu.memory_space<vmem>>) target_semaphore(%run_scoped3A : memref<!tpu.dma_semaphore, #tpu.memory_space<semaphore_mem>>)
      %dma_wait3A_17 = arith.constant 0 : i32
      %dma_wait3A_18 = tpu.memref_slice %arg2[%mul3A_2, %dma_wait3A_17] : memref<2048x768xf32, #tpu.memory_space<hbm>> -> memref<64x768xf32, #tpu.memory_space<hbm>>
      %dma_wait3A_19 = arith.constant 0 : i32
      %dma_wait3A_20 = tpu.memref_slice %arg2[%mul3A_2, %dma_wait3A_19] : memref<2048x768xf32, #tpu.memory_space<hbm>> -> memref<64x768xf32, #tpu.memory_space<hbm>>
      tpu.wait_dma2 semaphore(%run_scoped3A : memref<!tpu.dma_semaphore, #tpu.memory_space<semaphore_mem>>) src(%dma_wait3A_20 : memref<64x768xf32, #tpu.memory_space<hbm>>) dst(%arg8 : memref<64x768xf32, #tpu.memory_space<vmem>>)
      tpu.yield
    }) : () -> ()
    "tpu.region"() ({
      %run_scoped3A = tpu.sem_alloc : memref<!tpu.dma_semaphore, #tpu.memory_space<semaphore_mem>>
      %dma_start3A_13 = arith.constant 0 : i32
      %dma_start3A_14 = tpu.memref_slice %arg3[%mul3A_2, %dma_start3A_13] : memref<2048x128xf32, #tpu.memory_space<hbm>> -> memref<64x128xf32, #tpu.memory_space<hbm>>
      %dma_start3A_15 = arith.constant 0 : i32
      %dma_start3A_16 = tpu.memref_slice %arg3[%mul3A_2, %dma_start3A_15] : memref<2048x128xf32, #tpu.memory_space<hbm>> -> memref<64x128xf32, #tpu.memory_space<hbm>>
      tpu.enqueue_dma source(%dma_start3A_16 : memref<64x128xf32, #tpu.memory_space<hbm>>) target(%arg9 : memref<64x128xf32, #tpu.memory_space<vmem>>) target_semaphore(%run_scoped3A : memref<!tpu.dma_semaphore, #tpu.memory_space<semaphore_mem>>)
      %dma_wait3A_17 = arith.constant 0 : i32
      %dma_wait3A_18 = tpu.memref_slice %arg3[%mul3A_2, %dma_wait3A_17] : memref<2048x128xf32, #tpu.memory_space<hbm>> -> memref<64x128xf32, #tpu.memory_space<hbm>>
      %dma_wait3A_19 = arith.constant 0 : i32
      %dma_wait3A_20 = tpu.memref_slice %arg3[%mul3A_2, %dma_wait3A_19] : memref<2048x128xf32, #tpu.memory_space<hbm>> -> memref<64x128xf32, #tpu.memory_space<hbm>>
      tpu.wait_dma2 semaphore(%run_scoped3A : memref<!tpu.dma_semaphore, #tpu.memory_space<semaphore_mem>>) src(%dma_wait3A_20 : memref<64x128xf32, #tpu.memory_space<hbm>>) dst(%arg9 : memref<64x128xf32, #tpu.memory_space<vmem>>)
      tpu.yield
    }) : () -> ()
    %dma_start3A = arith.constant 0 : i32
    %dma_start3A_3 = arith.constant 0 : i32
    %dma_start3A_4 = tpu.memref_slice %arg5[%dma_start3A, %dma_start3A_3] : memref<6080x768xf32, #tpu.memory_space<hbm>> -> memref<6080x768xf32, #tpu.memory_space<hbm>>
    tpu.enqueue_indirect_dma source(%arg8 : memref<64x768xf32, #tpu.memory_space<vmem>>) target(%dma_start3A_4 : memref<6080x768xf32, #tpu.memory_space<hbm>>) offsets(%arg7 : memref<64xi32, #tpu.memory_space<vmem>>) semaphore(%arg10 : memref<!tpu.dma_semaphore, #tpu.memory_space<semaphore_mem>>)
    %dma_start3A_5 = arith.constant 0 : i32
    %dma_start3A_6 = arith.constant 0 : i32
    %dma_start3A_7 = tpu.memref_slice %arg6[%dma_start3A_5, %dma_start3A_6] : memref<6080x128xf32, #tpu.memory_space<hbm>> -> memref<6080x128xf32, #tpu.memory_space<hbm>>
    tpu.enqueue_indirect_dma source(%arg9 : memref<64x128xf32, #tpu.memory_space<vmem>>) target(%dma_start3A_7 : memref<6080x128xf32, #tpu.memory_space<hbm>>) offsets(%arg7 : memref<64xi32, #tpu.memory_space<vmem>>) semaphore(%arg11 : memref<!tpu.dma_semaphore, #tpu.memory_space<semaphore_mem>>)
    %dma_wait3A = arith.constant 0 : i32
    %dma_wait3A_8 = arith.constant 0 : i32
    %dma_wait3A_9 = tpu.memref_slice %arg5[%dma_wait3A, %dma_wait3A_8] : memref<6080x768xf32, #tpu.memory_space<hbm>> -> memref<6080x768xf32, #tpu.memory_space<hbm>>
    tpu.wait_indirect_dma semaphore(%arg10 : memref<!tpu.dma_semaphore, #tpu.memory_space<semaphore_mem>>) src(%arg8 : memref<64x768xf32, #tpu.memory_space<vmem>>) dst(%dma_wait3A_9 : memref<6080x768xf32, #tpu.memory_space<hbm>>)
    %dma_wait3A_10 = arith.constant 0 : i32
    %dma_wait3A_11 = arith.constant 0 : i32
    %dma_wait3A_12 = tpu.memref_slice %arg6[%dma_wait3A_10, %dma_wait3A_11] : memref<6080x128xf32, #tpu.memory_space<hbm>> -> memref<6080x128xf32, #tpu.memory_space<hbm>>
    tpu.wait_indirect_dma semaphore(%arg11 : memref<!tpu.dma_semaphore, #tpu.memory_space<semaphore_mem>>) src(%arg9 : memref<64x128xf32, #tpu.memory_space<vmem>>) dst(%dma_wait3A_12 : memref<6080x128xf32, #tpu.memory_space<hbm>>)
    return
  }
}

#map = affine_map<(d0, d1) -> (0)>
#map1 = affine_map<(d0, d1) -> (0, 0)>
module attributes {stable_mosaic.version = 14 : i64} {
  func.func @combine(%arg0: i32, %arg1: i32, %arg2: memref<2048xi32, #tpu.memory_space<hbm>>, %arg3: memref<6080x768xf32, #tpu.memory_space<hbm>>, %arg4: memref<2048x768xf32, #tpu.memory_space<hbm>>, %arg5: memref<64xi32, #tpu.memory_space<vmem>>, %arg6: memref<64x768xf32, #tpu.memory_space<vmem>>, %arg7: memref<!tpu.dma_semaphore, #tpu.memory_space<semaphore_mem>>) attributes {dimension_semantics = [#tpu.dimension_semantics<core_parallel>, #tpu.dimension_semantics<subcore_parallel>], iteration_bounds = array<i64: 2, 16>, scalar_prefetch = 0 : i64, scratch_operands = 3 : i64, tpu.core_type = #tpu.core_type<sc_vector_subcore>, window_params = [{transform_indices = #map}, {transform_indices = #map1}, {transform_indices = #map1}]} {
    %mul3A = arith.constant 2 : i32
    %mul3A_0 = arith.muli %arg1, %mul3A : i32
    %add3A = arith.addi %mul3A_0, %arg0 : i32
    %mul3A_1 = arith.constant 64 : i32
    %mul3A_2 = arith.muli %add3A, %mul3A_1 : i32
    "tpu.region"() ({
      %run_scoped3A = tpu.sem_alloc : memref<!tpu.dma_semaphore, #tpu.memory_space<semaphore_mem>>
      %dma_start3A_7 = tpu.memref_slice %arg2[%mul3A_2] : memref<2048xi32, #tpu.memory_space<hbm>> -> memref<64xi32, #tpu.memory_space<hbm>>
      %dma_start3A_8 = tpu.memref_slice %arg2[%mul3A_2] : memref<2048xi32, #tpu.memory_space<hbm>> -> memref<64xi32, #tpu.memory_space<hbm>>
      tpu.enqueue_dma source(%dma_start3A_8 : memref<64xi32, #tpu.memory_space<hbm>>) target(%arg5 : memref<64xi32, #tpu.memory_space<vmem>>) target_semaphore(%run_scoped3A : memref<!tpu.dma_semaphore, #tpu.memory_space<semaphore_mem>>)
      %dma_wait3A_9 = tpu.memref_slice %arg2[%mul3A_2] : memref<2048xi32, #tpu.memory_space<hbm>> -> memref<64xi32, #tpu.memory_space<hbm>>
      %dma_wait3A_10 = tpu.memref_slice %arg2[%mul3A_2] : memref<2048xi32, #tpu.memory_space<hbm>> -> memref<64xi32, #tpu.memory_space<hbm>>
      tpu.wait_dma2 semaphore(%run_scoped3A : memref<!tpu.dma_semaphore, #tpu.memory_space<semaphore_mem>>) src(%dma_wait3A_10 : memref<64xi32, #tpu.memory_space<hbm>>) dst(%arg5 : memref<64xi32, #tpu.memory_space<vmem>>)
      tpu.yield
    }) : () -> ()
    %dma_start3A = arith.constant 0 : i32
    %dma_start3A_3 = arith.constant 0 : i32
    %dma_start3A_4 = tpu.memref_slice %arg3[%dma_start3A, %dma_start3A_3] : memref<6080x768xf32, #tpu.memory_space<hbm>> -> memref<6080x768xf32, #tpu.memory_space<hbm>>
    tpu.enqueue_indirect_dma source(%dma_start3A_4 : memref<6080x768xf32, #tpu.memory_space<hbm>>) target(%arg6 : memref<64x768xf32, #tpu.memory_space<vmem>>) offsets(%arg5 : memref<64xi32, #tpu.memory_space<vmem>>) semaphore(%arg7 : memref<!tpu.dma_semaphore, #tpu.memory_space<semaphore_mem>>)
    %dma_wait3A = arith.constant 0 : i32
    %dma_wait3A_5 = arith.constant 0 : i32
    %dma_wait3A_6 = tpu.memref_slice %arg3[%dma_wait3A, %dma_wait3A_5] : memref<6080x768xf32, #tpu.memory_space<hbm>> -> memref<6080x768xf32, #tpu.memory_space<hbm>>
    tpu.wait_indirect_dma semaphore(%arg7 : memref<!tpu.dma_semaphore, #tpu.memory_space<semaphore_mem>>) src(%dma_wait3A_6 : memref<6080x768xf32, #tpu.memory_space<hbm>>) dst(%arg6 : memref<64x768xf32, #tpu.memory_space<vmem>>)
    "tpu.region"() ({
      %run_scoped3A = tpu.sem_alloc : memref<!tpu.dma_semaphore, #tpu.memory_space<semaphore_mem>>
      %dma_start3A_7 = arith.constant 0 : i32
      %dma_start3A_8 = tpu.memref_slice %arg4[%mul3A_2, %dma_start3A_7] : memref<2048x768xf32, #tpu.memory_space<hbm>> -> memref<64x768xf32, #tpu.memory_space<hbm>>
      %dma_start3A_9 = arith.constant 0 : i32
      %dma_start3A_10 = tpu.memref_slice %arg4[%mul3A_2, %dma_start3A_9] : memref<2048x768xf32, #tpu.memory_space<hbm>> -> memref<64x768xf32, #tpu.memory_space<hbm>>
      tpu.enqueue_dma source(%arg6 : memref<64x768xf32, #tpu.memory_space<vmem>>) target(%dma_start3A_10 : memref<64x768xf32, #tpu.memory_space<hbm>>) target_semaphore(%run_scoped3A : memref<!tpu.dma_semaphore, #tpu.memory_space<semaphore_mem>>)
      %dma_wait3A_11 = arith.constant 0 : i32
      %dma_wait3A_12 = tpu.memref_slice %arg4[%mul3A_2, %dma_wait3A_11] : memref<2048x768xf32, #tpu.memory_space<hbm>> -> memref<64x768xf32, #tpu.memory_space<hbm>>
      %dma_wait3A_13 = arith.constant 0 : i32
      %dma_wait3A_14 = tpu.memref_slice %arg4[%mul3A_2, %dma_wait3A_13] : memref<2048x768xf32, #tpu.memory_space<hbm>> -> memref<64x768xf32, #tpu.memory_space<hbm>>
      tpu.wait_dma2 semaphore(%run_scoped3A : memref<!tpu.dma_semaphore, #tpu.memory_space<semaphore_mem>>) src(%arg6 : memref<64x768xf32, #tpu.memory_space<vmem>>) dst(%dma_wait3A_14 : memref<64x768xf32, #tpu.memory_space<hbm>>)
      tpu.yield
    }) : () -> ()
    return
  }
}

module attributes {stable_mosaic.version = 14 : i64} {
  func.func @_router_body(%arg0: memref<2048x768xf32, #tpu.memory_space<vmem>>, %arg1: memref<768x64xf32, #tpu.memory_space<vmem>>, %arg2: memref<8x256xi32, #tpu.memory_space<vmem>>, %arg3: memref<2048x128xf32, #tpu.memory_space<vmem>>, %arg4: memref<1x95xi32, #tpu.memory_space<vmem>>, %arg5: memref<1x95xi32, #tpu.memory_space<vmem>>, %arg6: memref<1x95xi32, #tpu.memory_space<vmem>>, %arg7: memref<1x1xf32, #tpu.memory_space<vmem>>) attributes {dimension_semantics = [], scalar_prefetch = 0 : i64, scratch_operands = 0 : i64, tpu.core_type = #tpu.core_type<tc>} {
    %get3A = arith.constant 0 : index
    %get3A_0 = arith.constant 0 : index
    %get3A_1 = vector.load %arg0[%get3A, %get3A_0] : memref<2048x768xf32, #tpu.memory_space<vmem>>, vector<2048x768xf32>
    %get3A_2 = arith.constant 0 : index
    %get3A_3 = arith.constant 0 : index
    %get3A_4 = vector.load %arg1[%get3A_2, %get3A_3] : memref<768x64xf32, #tpu.memory_space<vmem>>, vector<768x64xf32>
    %dot_general3A = arith.constant dense<0.000000e+00> : vector<2048x64xf32>
    %dot_general3A_5 = tpu.matmul %get3A_1, %get3A_4, %dot_general3A {dimension_numbers = #tpu.dot_dimension_numbers<[1], [0], [0], [1], [0, 0, 1, 1], [], []>, transpose_lhs_hint = false} : vector<2048x768xf32>, vector<768x64xf32>, vector<2048x64xf32> -> vector<2048x64xf32>
    %reduce_max3A = arith.constant dense<0xFF800000> : vector<2048xf32>
    %reduce_max3A_6 = vector.multi_reduction <maximumf>, %dot_general3A_5, %reduce_max3A [1] : vector<2048x64xf32> to vector<2048xf32>
    %broadcast_in_dim3A = vector.shape_cast %reduce_max3A_6 : vector<2048xf32> to vector<2048x1xf32>
    %sub3A = vector.broadcast %broadcast_in_dim3A : vector<2048x1xf32> to vector<2048x64xf32>
    %sub3A_7 = arith.subf %dot_general3A_5, %sub3A : vector<2048x64xf32>
    %exp3A = math.exp %sub3A_7 : vector<2048x64xf32>
    %reduce_sum3A = arith.constant dense<0.000000e+00> : vector<2048xf32>
    %reduce_sum3A_8 = vector.multi_reduction <add>, %exp3A, %reduce_sum3A [1] : vector<2048x64xf32> to vector<2048xf32>
    %broadcast_in_dim3A_9 = vector.shape_cast %reduce_sum3A_8 : vector<2048xf32> to vector<2048x1xf32>
    %div3A = vector.broadcast %broadcast_in_dim3A_9 : vector<2048x1xf32> to vector<2048x64xf32>
    %div3A_10 = arith.divf %exp3A, %div3A : vector<2048x64xf32>
    %reduce_max3A_11 = arith.constant dense<0xFF800000> : vector<2048xf32>
    %reduce_max3A_12 = vector.multi_reduction <maximumf>, %div3A_10, %reduce_max3A_11 [1] : vector<2048x64xf32> to vector<2048xf32>
    %iota3A = tpu.iota {dimensions = array<i32: 1>} : vector<2048x64xi32>
    %broadcast_in_dim3A_13 = vector.shape_cast %reduce_max3A_12 : vector<2048xf32> to vector<2048x1xf32>
    %ge3A = vector.broadcast %broadcast_in_dim3A_13 : vector<2048x1xf32> to vector<2048x64xf32>
    %ge3A_14 = arith.cmpf oge, %div3A_10, %ge3A : vector<2048x64xf32>
    %jit3A = arith.constant 64 : i32
    %broadcast_in_dim3A_15 = vector.broadcast %jit3A : i32 to vector<2048x64xi32>
    %select_n3A = arith.select %ge3A_14, %iota3A, %broadcast_in_dim3A_15 : vector<2048x64xi1>, vector<2048x64xi32>
    %reduce_min3A = arith.constant dense<2147483647> : vector<2048xi32>
    %reduce_min3A_16 = vector.multi_reduction <minsi>, %select_n3A, %reduce_min3A [1] : vector<2048x64xi32> to vector<2048xi32>
    %broadcast_in_dim3A_17 = vector.shape_cast %reduce_min3A_16 : vector<2048xi32> to vector<2048x1xi32>
    %eq3A = vector.broadcast %broadcast_in_dim3A_17 : vector<2048x1xi32> to vector<2048x64xi32>
    %eq3A_18 = arith.cmpi eq, %iota3A, %eq3A : vector<2048x64xi32>
    %convert_element_type3A = arith.extui %eq3A_18 : vector<2048x64xi1> to vector<2048x64xi32>
    %convert_element_type3A_19 = arith.sitofp %convert_element_type3A : vector<2048x64xi32> to vector<2048x64xf32>
    %reduce_sum3A_20 = arith.constant dense<0.000000e+00> : vector<64xf32>
    %reduce_sum3A_21 = vector.multi_reduction <add>, %convert_element_type3A_19, %reduce_sum3A_20 [0] : vector<2048x64xf32> to vector<64xf32>
    %add3A = arith.constant 9.99999971E-10 : f32
    %add3A_22 = vector.broadcast %add3A : f32 to vector<2048xf32>
    %add3A_23 = arith.addf %reduce_max3A_12, %add3A_22 : vector<2048xf32>
    %div3A_24 = arith.divf %reduce_max3A_12, %add3A_23 : vector<2048xf32>
    %broadcast_in_dim3A_25 = vector.shape_cast %div3A_24 : vector<2048xf32> to vector<2048x1xf32>
    %broadcast_in_dim3A_26 = vector.shape_cast %broadcast_in_dim3A_25 : vector<2048x1xf32> to vector<2048x1xf32>
    %broadcast_in_dim3A_27 = vector.broadcast %broadcast_in_dim3A_26 : vector<2048x1xf32> to vector<2048x128xf32>
    %swap3A = arith.constant 0 : index
    %swap3A_28 = arith.constant 0 : index
    %swap3A_29 = vector.load %arg3[%swap3A, %swap3A_28] : memref<2048x128xf32, #tpu.memory_space<vmem>>, vector<2048x128xf32>
    tpu.vector_store %arg3[%swap3A, %swap3A_28], %broadcast_in_dim3A_27 {strides = array<i32>} : memref<2048x128xf32, #tpu.memory_space<vmem>>, vector<2048x128xf32>,
    %reduce_sum3A_30 = arith.constant dense<0.000000e+00> : vector<64xf32>
    %reduce_sum3A_31 = vector.multi_reduction <add>, %div3A_10, %reduce_sum3A_30 [0] : vector<2048x64xf32> to vector<64xf32>
    %mul3A = arith.constant 4.8828125E-4 : f32
    %mul3A_32 = vector.broadcast %mul3A : f32 to vector<64xf32>
    %mul3A_33 = arith.mulf %reduce_sum3A_31, %mul3A_32 : vector<64xf32>
    %mul3A_34 = arith.constant 4.8828125E-4 : f32
    %mul3A_35 = vector.broadcast %mul3A_34 : f32 to vector<64xf32>
    %mul3A_36 = arith.mulf %reduce_sum3A_21, %mul3A_35 : vector<64xf32>
    %mul3A_37 = arith.mulf %mul3A_36, %mul3A_33 : vector<64xf32>
    %reduce_sum3A_38 = vector.shape_cast %mul3A_37 : vector<64xf32> to vector<1x64xf32>
    %reduce_sum3A_39 = arith.constant dense<0.000000e+00> : vector<1xf32>
    %reduce_sum3A_40 = vector.multi_reduction <add>, %reduce_sum3A_38, %reduce_sum3A_39 [1] : vector<1x64xf32> to vector<1xf32>
    %reduce_sum3A_41 = vector.shape_cast %reduce_sum3A_40 : vector<1xf32> to vector<1x1xf32>
    %reduce_sum3A_42 = vector.extract %reduce_sum3A_41[0, 0] : f32 from vector<1x1xf32>
    %mul3A_43 = arith.constant 6.400000e+01 : f32
    %mul3A_44 = arith.mulf %mul3A_43, %reduce_sum3A_42 : f32
    %reshape3A = vector.broadcast %mul3A_44 : f32 to vector<1x1xf32>
    %swap3A_45 = arith.constant 0 : index
    %swap3A_46 = arith.constant 0 : index
    %swap3A_47 = vector.load %arg7[%swap3A_45, %swap3A_46] : memref<1x1xf32, #tpu.memory_space<vmem>>, vector<1x1xf32>
    tpu.vector_store %arg7[%swap3A_45, %swap3A_46], %reshape3A {strides = array<i32>} : memref<1x1xf32, #tpu.memory_space<vmem>>, vector<1x1xf32>,
    %add3A_48 = arith.constant 6.300000e+01 : f32
    %add3A_49 = vector.broadcast %add3A_48 : f32 to vector<64xf32>
    %add3A_50 = arith.addf %reduce_sum3A_21, %add3A_49 : vector<64xf32>
    %mul3A_51 = arith.constant 1.562500e-02 : f32
    %mul3A_52 = vector.broadcast %mul3A_51 : f32 to vector<64xf32>
    %mul3A_53 = arith.mulf %add3A_50, %mul3A_52 : vector<64xf32>
    %floor3A = math.floor %mul3A_53 : vector<64xf32>
    %iota3A_54 = tpu.iota {dimensions = array<i32: 0>} : vector<64x64xi32>
    %convert_element_type3A_55 = arith.sitofp %iota3A_54 : vector<64x64xi32> to vector<64x64xf32>
    %iota3A_56 = tpu.iota {dimensions = array<i32: 1>} : vector<64x64xi32>
    %convert_element_type3A_57 = arith.sitofp %iota3A_56 : vector<64x64xi32> to vector<64x64xf32>
    %lt3A = arith.cmpf olt, %convert_element_type3A_55, %convert_element_type3A_57 : vector<64x64xf32>
    %convert_element_type3A_58 = arith.extui %lt3A : vector<64x64xi1> to vector<64x64xi32>
    %convert_element_type3A_59 = arith.sitofp %convert_element_type3A_58 : vector<64x64xi32> to vector<64x64xf32>
    %broadcast_in_dim3A_60 = vector.shape_cast %floor3A : vector<64xf32> to vector<1x64xf32>
    %dot_general3A_61 = arith.constant dense<0.000000e+00> : vector<1x64xf32>
    %dot_general3A_62 = tpu.matmul %broadcast_in_dim3A_60, %convert_element_type3A_59, %dot_general3A_61 {dimension_numbers = #tpu.dot_dimension_numbers<[1], [0], [0], [1], [0, 0, 1, 1], [], []>, precision = #tpu.contract_precision<fp32>, transpose_lhs_hint = false} : vector<1x64xf32>, vector<64x64xf32>, vector<1x64xf32> -> vector<1x64xf32>
    %squeeze3A = vector.shape_cast %dot_general3A_62 : vector<1x64xf32> to vector<64xf32>
    %mul3A_63 = arith.constant 6.400000e+01 : f32
    %mul3A_64 = vector.broadcast %mul3A_63 : f32 to vector<64xf32>
    %mul3A_65 = arith.mulf %squeeze3A, %mul3A_64 : vector<64xf32>
    %iota3A_66 = tpu.iota {dimensions = array<i32: 0>} : vector<95x64xi32>
    %convert_element_type3A_67 = arith.sitofp %iota3A_66 : vector<95x64xi32> to vector<95x64xf32>
    %broadcast_in_dim3A_68 = vector.shape_cast %squeeze3A : vector<64xf32> to vector<1x64xf32>
    %ge3A_69 = vector.broadcast %broadcast_in_dim3A_68 : vector<1x64xf32> to vector<95x64xf32>
    %ge3A_70 = arith.cmpf oge, %convert_element_type3A_67, %ge3A_69 : vector<95x64xf32>
    %add3A_71 = arith.addf %squeeze3A, %floor3A : vector<64xf32>
    %broadcast_in_dim3A_72 = vector.shape_cast %add3A_71 : vector<64xf32> to vector<1x64xf32>
    %lt3A_73 = vector.broadcast %broadcast_in_dim3A_72 : vector<1x64xf32> to vector<95x64xf32>
    %lt3A_74 = arith.cmpf olt, %convert_element_type3A_67, %lt3A_73 : vector<95x64xf32>
    %and3A = arith.andi %ge3A_70, %lt3A_74 : vector<95x64xi1>
    %iota3A_75 = tpu.iota {dimensions = array<i32: 1>} : vector<95x64xi32>
    %convert_element_type3A_76 = arith.sitofp %iota3A_75 : vector<95x64xi32> to vector<95x64xf32>
    %jit3A_77 = arith.constant 0.000000e+00 : f32
    %broadcast_in_dim3A_78 = vector.broadcast %jit3A_77 : f32 to vector<95x64xf32>
    %select_n3A_79 = arith.select %and3A, %convert_element_type3A_76, %broadcast_in_dim3A_78 : vector<95x64xi1>, vector<95x64xf32>
    %reduce_sum3A_80 = arith.constant dense<0.000000e+00> : vector<95xf32>
    %reduce_sum3A_81 = vector.multi_reduction <add>, %select_n3A_79, %reduce_sum3A_80 [1] : vector<95x64xf32> to vector<95xf32>
    %convert_element_type3A_82 = arith.extui %and3A : vector<95x64xi1> to vector<95x64xi32>
    %convert_element_type3A_83 = arith.sitofp %convert_element_type3A_82 : vector<95x64xi32> to vector<95x64xf32>
    %reduce_sum3A_84 = arith.constant dense<0.000000e+00> : vector<95xf32>
    %reduce_sum3A_85 = vector.multi_reduction <add>, %convert_element_type3A_83, %reduce_sum3A_84 [1] : vector<95x64xf32> to vector<95xf32>
    %iota3A_86 = tpu.iota {dimensions = array<i32: 1>} : vector<1x64xi32>
    %convert_element_type3A_87 = arith.sitofp %iota3A_86 : vector<1x64xi32> to vector<1x64xf32>
    %squeeze3A_88 = vector.shape_cast %convert_element_type3A_87 : vector<1x64xf32> to vector<64xf32>
    %gt3A = arith.constant 0.000000e+00 : f32
    %gt3A_89 = vector.broadcast %gt3A : f32 to vector<64xf32>
    %gt3A_90 = arith.cmpf ogt, %reduce_sum3A_21, %gt3A_89 : vector<64xf32>
    %jit3A_91 = arith.constant -1.000000e+00 : f32
    %broadcast_in_dim3A_92 = vector.broadcast %jit3A_91 : f32 to vector<64xf32>
    %select_n3A_93 = arith.select %gt3A_90, %squeeze3A_88, %broadcast_in_dim3A_92 : vector<64xi1>, vector<64xf32>
    %reduce_max3A_94 = vector.shape_cast %select_n3A_93 : vector<64xf32> to vector<1x64xf32>
    %reduce_max3A_95 = arith.constant dense<0xFF800000> : vector<1xf32>
    %reduce_max3A_96 = vector.multi_reduction <maximumf>, %reduce_max3A_94, %reduce_max3A_95 [1] : vector<1x64xf32> to vector<1xf32>
    %reduce_max3A_97 = vector.shape_cast %reduce_max3A_96 : vector<1xf32> to vector<1x1xf32>
    %reduce_max3A_98 = vector.extract %reduce_max3A_97[0, 0] : f32 from vector<1x1xf32>
    %gt3A_99 = arith.constant 0.000000e+00 : f32
    %gt3A_100 = vector.broadcast %gt3A_99 : f32 to vector<95xf32>
    %gt3A_101 = arith.cmpf ogt, %reduce_sum3A_85, %gt3A_100 : vector<95xf32>
    %broadcast_in_dim3A_102 = vector.broadcast %reduce_max3A_98 : f32 to vector<95xf32>
    %select_n3A_103 = arith.select %gt3A_101, %reduce_sum3A_81, %broadcast_in_dim3A_102 : vector<95xi1>, vector<95xf32>
    %broadcast_in_dim3A_104 = vector.shape_cast %select_n3A_103 : vector<95xf32> to vector<1x95xf32>
    %convert_element_type3A_105 = arith.fptosi %broadcast_in_dim3A_104 : vector<1x95xf32> to vector<1x95xi32>
    %swap3A_106 = arith.constant 0 : index
    %swap3A_107 = arith.constant 0 : index
    %swap3A_108 = vector.load %arg4[%swap3A_106, %swap3A_107] : memref<1x95xi32, #tpu.memory_space<vmem>>, vector<1x95xi32>
    tpu.vector_store %arg4[%swap3A_106, %swap3A_107], %convert_element_type3A_105 {strides = array<i32>} : memref<1x95xi32, #tpu.memory_space<vmem>>, vector<1x95xi32>,
    %broadcast_in_dim3A_109 = vector.shape_cast %reduce_sum3A_85 : vector<95xf32> to vector<1x95xf32>
    %convert_element_type3A_110 = arith.fptosi %broadcast_in_dim3A_109 : vector<1x95xf32> to vector<1x95xi32>
    %swap3A_111 = arith.constant 0 : index
    %swap3A_112 = arith.constant 0 : index
    %swap3A_113 = vector.load %arg5[%swap3A_111, %swap3A_112] : memref<1x95xi32, #tpu.memory_space<vmem>>, vector<1x95xi32>
    tpu.vector_store %arg5[%swap3A_111, %swap3A_112], %convert_element_type3A_110 {strides = array<i32>} : memref<1x95xi32, #tpu.memory_space<vmem>>, vector<1x95xi32>,
    %reduce_sum3A_114 = vector.shape_cast %floor3A : vector<64xf32> to vector<1x64xf32>
    %reduce_sum3A_115 = arith.constant dense<0.000000e+00> : vector<1xf32>
    %reduce_sum3A_116 = vector.multi_reduction <add>, %reduce_sum3A_114, %reduce_sum3A_115 [1] : vector<1x64xf32> to vector<1xf32>
    %reduce_sum3A_117 = vector.shape_cast %reduce_sum3A_116 : vector<1xf32> to vector<1x1xf32>
    %reduce_sum3A_118 = vector.extract %reduce_sum3A_117[0, 0] : f32 from vector<1x1xf32>
    %iota3A_119 = tpu.iota {dimensions = array<i32: 1>} : vector<1x95xi32>
    %convert_element_type3A_120 = arith.sitofp %iota3A_119 : vector<1x95xi32> to vector<1x95xf32>
    %squeeze3A_121 = vector.shape_cast %convert_element_type3A_120 : vector<1x95xf32> to vector<95xf32>
    %gt3A_122 = arith.constant 0.000000e+00 : f32
    %gt3A_123 = vector.broadcast %gt3A_122 : f32 to vector<95xf32>
    %gt3A_124 = arith.cmpf ogt, %reduce_sum3A_85, %gt3A_123 : vector<95xf32>
    %sub3A_125 = arith.constant 1.000000e+00 : f32
    %sub3A_126 = arith.subf %reduce_sum3A_118, %sub3A_125 : f32
    %broadcast_in_dim3A_127 = vector.broadcast %sub3A_126 : f32 to vector<95xf32>
    %select_n3A_128 = arith.select %gt3A_124, %squeeze3A_121, %broadcast_in_dim3A_127 : vector<95xi1>, vector<95xf32>
    %broadcast_in_dim3A_129 = vector.shape_cast %select_n3A_128 : vector<95xf32> to vector<1x95xf32>
    %convert_element_type3A_130 = arith.fptosi %broadcast_in_dim3A_129 : vector<1x95xf32> to vector<1x95xi32>
    %swap3A_131 = arith.constant 0 : index
    %swap3A_132 = arith.constant 0 : index
    %swap3A_133 = vector.load %arg6[%swap3A_131, %swap3A_132] : memref<1x95xi32, #tpu.memory_space<vmem>>, vector<1x95xi32>
    tpu.vector_store %arg6[%swap3A_131, %swap3A_132], %convert_element_type3A_130 {strides = array<i32>} : memref<1x95xi32, #tpu.memory_space<vmem>>, vector<1x95xi32>,
    %iota3A_134 = tpu.iota {dimensions = array<i32: 0>} : vector<256x256xi32>
    %convert_element_type3A_135 = arith.sitofp %iota3A_134 : vector<256x256xi32> to vector<256x256xf32>
    %iota3A_136 = tpu.iota {dimensions = array<i32: 1>} : vector<256x256xi32>
    %convert_element_type3A_137 = arith.sitofp %iota3A_136 : vector<256x256xi32> to vector<256x256xf32>
    %lt3A_138 = arith.cmpf olt, %convert_element_type3A_137, %convert_element_type3A_135 : vector<256x256xf32>
    %convert_element_type3A_139 = arith.extui %lt3A_138 : vector<256x256xi1> to vector<256x256xi32>
    %convert_element_type3A_140 = arith.sitofp %convert_element_type3A_139 : vector<256x256xi32> to vector<256x256xf32>
    %broadcast_in_dim3A_141 = arith.constant 0.000000e+00 : f32
    %broadcast_in_dim3A_142 = vector.broadcast %broadcast_in_dim3A_141 : f32 to vector<64xf32>
    %slice3A = vector.extract_strided_slice %convert_element_type3A_19 {offsets = [0, 0], sizes = [256, 64], strides = [1, 1]} : vector<2048x64xf32> to vector<256x64xf32>
    %dot_general3A_143 = arith.constant dense<0.000000e+00> : vector<256x64xf32>
    %dot_general3A_144 = tpu.matmul %convert_element_type3A_140, %slice3A, %dot_general3A_143 {dimension_numbers = #tpu.dot_dimension_numbers<[1], [0], [0], [1], [0, 0, 1, 1], [], []>, precision = #tpu.contract_precision<fp32>, transpose_lhs_hint = false} : vector<256x256xf32>, vector<256x64xf32>, vector<256x64xf32> -> vector<256x64xf32>
    %add3A_145 = arith.addf %mul3A_65, %broadcast_in_dim3A_142 : vector<64xf32>
    %broadcast_in_dim3A_146 = vector.shape_cast %add3A_145 : vector<64xf32> to vector<1x64xf32>
    %add3A_147 = vector.broadcast %broadcast_in_dim3A_146 : vector<1x64xf32> to vector<256x64xf32>
    %add3A_148 = arith.addf %add3A_147, %dot_general3A_144 : vector<256x64xf32>
    %mul3A_149 = arith.mulf %slice3A, %add3A_148 : vector<256x64xf32>
    %reduce_sum3A_150 = arith.constant dense<0.000000e+00> : vector<256xf32>
    %reduce_sum3A_151 = vector.multi_reduction <add>, %mul3A_149, %reduce_sum3A_150 [1] : vector<256x64xf32> to vector<256xf32>
    %convert_element_type3A_152 = arith.fptosi %reduce_sum3A_151 : vector<256xf32> to vector<256xi32>
    %swap3A_153 = arith.constant 0 : index
    %swap3A_154 = arith.constant 0 : index
    %swap3A_155 = vector.load %arg2[%swap3A_153, %swap3A_154] : memref<8x256xi32, #tpu.memory_space<vmem>>, vector<1x256xi32>
    %swap3A_156 = vector.shape_cast %swap3A_155 : vector<1x256xi32> to vector<256xi32>
    %swap3A_157 = vector.shape_cast %convert_element_type3A_152 : vector<256xi32> to vector<1x256xi32>
    tpu.vector_store %arg2[%swap3A_153, %swap3A_154], %swap3A_157 {strides = array<i32>} : memref<8x256xi32, #tpu.memory_space<vmem>>, vector<1x256xi32>,
    %reduce_sum3A_158 = arith.constant dense<0.000000e+00> : vector<64xf32>
    %reduce_sum3A_159 = vector.multi_reduction <add>, %slice3A, %reduce_sum3A_158 [0] : vector<256x64xf32> to vector<64xf32>
    %add3A_160 = arith.addf %broadcast_in_dim3A_142, %reduce_sum3A_159 : vector<64xf32>
    %slice3A_161 = vector.extract_strided_slice %convert_element_type3A_19 {offsets = [256, 0], sizes = [256, 64], strides = [1, 1]} : vector<2048x64xf32> to vector<256x64xf32>
    %dot_general3A_162 = arith.constant dense<0.000000e+00> : vector<256x64xf32>
    %dot_general3A_163 = tpu.matmul %convert_element_type3A_140, %slice3A_161, %dot_general3A_162 {dimension_numbers = #tpu.dot_dimension_numbers<[1], [0], [0], [1], [0, 0, 1, 1], [], []>, precision = #tpu.contract_precision<fp32>, transpose_lhs_hint = false} : vector<256x256xf32>, vector<256x64xf32>, vector<256x64xf32> -> vector<256x64xf32>
    %add3A_164 = arith.addf %mul3A_65, %add3A_160 : vector<64xf32>
    %broadcast_in_dim3A_165 = vector.shape_cast %add3A_164 : vector<64xf32> to vector<1x64xf32>
    %add3A_166 = vector.broadcast %broadcast_in_dim3A_165 : vector<1x64xf32> to vector<256x64xf32>
    %add3A_167 = arith.addf %add3A_166, %dot_general3A_163 : vector<256x64xf32>
    %mul3A_168 = arith.mulf %slice3A_161, %add3A_167 : vector<256x64xf32>
    %reduce_sum3A_169 = arith.constant dense<0.000000e+00> : vector<256xf32>
    %reduce_sum3A_170 = vector.multi_reduction <add>, %mul3A_168, %reduce_sum3A_169 [1] : vector<256x64xf32> to vector<256xf32>
    %convert_element_type3A_171 = arith.fptosi %reduce_sum3A_170 : vector<256xf32> to vector<256xi32>
    %swap3A_172 = arith.constant 1 : index
    %swap3A_173 = arith.constant 0 : index
    %swap3A_174 = vector.load %arg2[%swap3A_172, %swap3A_173] : memref<8x256xi32, #tpu.memory_space<vmem>>, vector<1x256xi32>
    %swap3A_175 = vector.shape_cast %swap3A_174 : vector<1x256xi32> to vector<256xi32>
    %swap3A_176 = vector.shape_cast %convert_element_type3A_171 : vector<256xi32> to vector<1x256xi32>
    tpu.vector_store %arg2[%swap3A_172, %swap3A_173], %swap3A_176 {strides = array<i32>} : memref<8x256xi32, #tpu.memory_space<vmem>>, vector<1x256xi32>,
    %reduce_sum3A_177 = arith.constant dense<0.000000e+00> : vector<64xf32>
    %reduce_sum3A_178 = vector.multi_reduction <add>, %slice3A_161, %reduce_sum3A_177 [0] : vector<256x64xf32> to vector<64xf32>
    %add3A_179 = arith.addf %add3A_160, %reduce_sum3A_178 : vector<64xf32>
    %slice3A_180 = vector.extract_strided_slice %convert_element_type3A_19 {offsets = [512, 0], sizes = [256, 64], strides = [1, 1]} : vector<2048x64xf32> to vector<256x64xf32>
    %dot_general3A_181 = arith.constant dense<0.000000e+00> : vector<256x64xf32>
    %dot_general3A_182 = tpu.matmul %convert_element_type3A_140, %slice3A_180, %dot_general3A_181 {dimension_numbers = #tpu.dot_dimension_numbers<[1], [0], [0], [1], [0, 0, 1, 1], [], []>, precision = #tpu.contract_precision<fp32>, transpose_lhs_hint = false} : vector<256x256xf32>, vector<256x64xf32>, vector<256x64xf32> -> vector<256x64xf32>
    %add3A_183 = arith.addf %mul3A_65, %add3A_179 : vector<64xf32>
    %broadcast_in_dim3A_184 = vector.shape_cast %add3A_183 : vector<64xf32> to vector<1x64xf32>
    %add3A_185 = vector.broadcast %broadcast_in_dim3A_184 : vector<1x64xf32> to vector<256x64xf32>
    %add3A_186 = arith.addf %add3A_185, %dot_general3A_182 : vector<256x64xf32>
    %mul3A_187 = arith.mulf %slice3A_180, %add3A_186 : vector<256x64xf32>
    %reduce_sum3A_188 = arith.constant dense<0.000000e+00> : vector<256xf32>
    %reduce_sum3A_189 = vector.multi_reduction <add>, %mul3A_187, %reduce_sum3A_188 [1] : vector<256x64xf32> to vector<256xf32>
    %convert_element_type3A_190 = arith.fptosi %reduce_sum3A_189 : vector<256xf32> to vector<256xi32>
    %swap3A_191 = arith.constant 2 : index
    %swap3A_192 = arith.constant 0 : index
    %swap3A_193 = vector.load %arg2[%swap3A_191, %swap3A_192] : memref<8x256xi32, #tpu.memory_space<vmem>>, vector<1x256xi32>
    %swap3A_194 = vector.shape_cast %swap3A_193 : vector<1x256xi32> to vector<256xi32>
    %swap3A_195 = vector.shape_cast %convert_element_type3A_190 : vector<256xi32> to vector<1x256xi32>
    tpu.vector_store %arg2[%swap3A_191, %swap3A_192], %swap3A_195 {strides = array<i32>} : memref<8x256xi32, #tpu.memory_space<vmem>>, vector<1x256xi32>,
    %reduce_sum3A_196 = arith.constant dense<0.000000e+00> : vector<64xf32>
    %reduce_sum3A_197 = vector.multi_reduction <add>, %slice3A_180, %reduce_sum3A_196 [0] : vector<256x64xf32> to vector<64xf32>
    %add3A_198 = arith.addf %add3A_179, %reduce_sum3A_197 : vector<64xf32>
    %slice3A_199 = vector.extract_strided_slice %convert_element_type3A_19 {offsets = [768, 0], sizes = [256, 64], strides = [1, 1]} : vector<2048x64xf32> to vector<256x64xf32>
    %dot_general3A_200 = arith.constant dense<0.000000e+00> : vector<256x64xf32>
    %dot_general3A_201 = tpu.matmul %convert_element_type3A_140, %slice3A_199, %dot_general3A_200 {dimension_numbers = #tpu.dot_dimension_numbers<[1], [0], [0], [1], [0, 0, 1, 1], [], []>, precision = #tpu.contract_precision<fp32>, transpose_lhs_hint = false} : vector<256x256xf32>, vector<256x64xf32>, vector<256x64xf32> -> vector<256x64xf32>
    %add3A_202 = arith.addf %mul3A_65, %add3A_198 : vector<64xf32>
    %broadcast_in_dim3A_203 = vector.shape_cast %add3A_202 : vector<64xf32> to vector<1x64xf32>
    %add3A_204 = vector.broadcast %broadcast_in_dim3A_203 : vector<1x64xf32> to vector<256x64xf32>
    %add3A_205 = arith.addf %add3A_204, %dot_general3A_201 : vector<256x64xf32>
    %mul3A_206 = arith.mulf %slice3A_199, %add3A_205 : vector<256x64xf32>
    %reduce_sum3A_207 = arith.constant dense<0.000000e+00> : vector<256xf32>
    %reduce_sum3A_208 = vector.multi_reduction <add>, %mul3A_206, %reduce_sum3A_207 [1] : vector<256x64xf32> to vector<256xf32>
    %convert_element_type3A_209 = arith.fptosi %reduce_sum3A_208 : vector<256xf32> to vector<256xi32>
    %swap3A_210 = arith.constant 3 : index
    %swap3A_211 = arith.constant 0 : index
    %swap3A_212 = vector.load %arg2[%swap3A_210, %swap3A_211] : memref<8x256xi32, #tpu.memory_space<vmem>>, vector<1x256xi32>
    %swap3A_213 = vector.shape_cast %swap3A_212 : vector<1x256xi32> to vector<256xi32>
    %swap3A_214 = vector.shape_cast %convert_element_type3A_209 : vector<256xi32> to vector<1x256xi32>
    tpu.vector_store %arg2[%swap3A_210, %swap3A_211], %swap3A_214 {strides = array<i32>} : memref<8x256xi32, #tpu.memory_space<vmem>>, vector<1x256xi32>,
    %reduce_sum3A_215 = arith.constant dense<0.000000e+00> : vector<64xf32>
    %reduce_sum3A_216 = vector.multi_reduction <add>, %slice3A_199, %reduce_sum3A_215 [0] : vector<256x64xf32> to vector<64xf32>
    %add3A_217 = arith.addf %add3A_198, %reduce_sum3A_216 : vector<64xf32>
    %slice3A_218 = vector.extract_strided_slice %convert_element_type3A_19 {offsets = [1024, 0], sizes = [256, 64], strides = [1, 1]} : vector<2048x64xf32> to vector<256x64xf32>
    %dot_general3A_219 = arith.constant dense<0.000000e+00> : vector<256x64xf32>
    %dot_general3A_220 = tpu.matmul %convert_element_type3A_140, %slice3A_218, %dot_general3A_219 {dimension_numbers = #tpu.dot_dimension_numbers<[1], [0], [0], [1], [0, 0, 1, 1], [], []>, precision = #tpu.contract_precision<fp32>, transpose_lhs_hint = false} : vector<256x256xf32>, vector<256x64xf32>, vector<256x64xf32> -> vector<256x64xf32>
    %add3A_221 = arith.addf %mul3A_65, %add3A_217 : vector<64xf32>
    %broadcast_in_dim3A_222 = vector.shape_cast %add3A_221 : vector<64xf32> to vector<1x64xf32>
    %add3A_223 = vector.broadcast %broadcast_in_dim3A_222 : vector<1x64xf32> to vector<256x64xf32>
    %add3A_224 = arith.addf %add3A_223, %dot_general3A_220 : vector<256x64xf32>
    %mul3A_225 = arith.mulf %slice3A_218, %add3A_224 : vector<256x64xf32>
    %reduce_sum3A_226 = arith.constant dense<0.000000e+00> : vector<256xf32>
    %reduce_sum3A_227 = vector.multi_reduction <add>, %mul3A_225, %reduce_sum3A_226 [1] : vector<256x64xf32> to vector<256xf32>
    %convert_element_type3A_228 = arith.fptosi %reduce_sum3A_227 : vector<256xf32> to vector<256xi32>
    %swap3A_229 = arith.constant 4 : index
    %swap3A_230 = arith.constant 0 : index
    %swap3A_231 = vector.load %arg2[%swap3A_229, %swap3A_230] : memref<8x256xi32, #tpu.memory_space<vmem>>, vector<1x256xi32>
    %swap3A_232 = vector.shape_cast %swap3A_231 : vector<1x256xi32> to vector<256xi32>
    %swap3A_233 = vector.shape_cast %convert_element_type3A_228 : vector<256xi32> to vector<1x256xi32>
    tpu.vector_store %arg2[%swap3A_229, %swap3A_230], %swap3A_233 {strides = array<i32>} : memref<8x256xi32, #tpu.memory_space<vmem>>, vector<1x256xi32>,
    %reduce_sum3A_234 = arith.constant dense<0.000000e+00> : vector<64xf32>
    %reduce_sum3A_235 = vector.multi_reduction <add>, %slice3A_218, %reduce_sum3A_234 [0] : vector<256x64xf32> to vector<64xf32>
    %add3A_236 = arith.addf %add3A_217, %reduce_sum3A_235 : vector<64xf32>
    %slice3A_237 = vector.extract_strided_slice %convert_element_type3A_19 {offsets = [1280, 0], sizes = [256, 64], strides = [1, 1]} : vector<2048x64xf32> to vector<256x64xf32>
    %dot_general3A_238 = arith.constant dense<0.000000e+00> : vector<256x64xf32>
    %dot_general3A_239 = tpu.matmul %convert_element_type3A_140, %slice3A_237, %dot_general3A_238 {dimension_numbers = #tpu.dot_dimension_numbers<[1], [0], [0], [1], [0, 0, 1, 1], [], []>, precision = #tpu.contract_precision<fp32>, transpose_lhs_hint = false} : vector<256x256xf32>, vector<256x64xf32>, vector<256x64xf32> -> vector<256x64xf32>
    %add3A_240 = arith.addf %mul3A_65, %add3A_236 : vector<64xf32>
    %broadcast_in_dim3A_241 = vector.shape_cast %add3A_240 : vector<64xf32> to vector<1x64xf32>
    %add3A_242 = vector.broadcast %broadcast_in_dim3A_241 : vector<1x64xf32> to vector<256x64xf32>
    %add3A_243 = arith.addf %add3A_242, %dot_general3A_239 : vector<256x64xf32>
    %mul3A_244 = arith.mulf %slice3A_237, %add3A_243 : vector<256x64xf32>
    %reduce_sum3A_245 = arith.constant dense<0.000000e+00> : vector<256xf32>
    %reduce_sum3A_246 = vector.multi_reduction <add>, %mul3A_244, %reduce_sum3A_245 [1] : vector<256x64xf32> to vector<256xf32>
    %convert_element_type3A_247 = arith.fptosi %reduce_sum3A_246 : vector<256xf32> to vector<256xi32>
    %swap3A_248 = arith.constant 5 : index
    %swap3A_249 = arith.constant 0 : index
    %swap3A_250 = vector.load %arg2[%swap3A_248, %swap3A_249] : memref<8x256xi32, #tpu.memory_space<vmem>>, vector<1x256xi32>
    %swap3A_251 = vector.shape_cast %swap3A_250 : vector<1x256xi32> to vector<256xi32>
    %swap3A_252 = vector.shape_cast %convert_element_type3A_247 : vector<256xi32> to vector<1x256xi32>
    tpu.vector_store %arg2[%swap3A_248, %swap3A_249], %swap3A_252 {strides = array<i32>} : memref<8x256xi32, #tpu.memory_space<vmem>>, vector<1x256xi32>,
    %reduce_sum3A_253 = arith.constant dense<0.000000e+00> : vector<64xf32>
    %reduce_sum3A_254 = vector.multi_reduction <add>, %slice3A_237, %reduce_sum3A_253 [0] : vector<256x64xf32> to vector<64xf32>
    %add3A_255 = arith.addf %add3A_236, %reduce_sum3A_254 : vector<64xf32>
    %slice3A_256 = vector.extract_strided_slice %convert_element_type3A_19 {offsets = [1536, 0], sizes = [256, 64], strides = [1, 1]} : vector<2048x64xf32> to vector<256x64xf32>
    %dot_general3A_257 = arith.constant dense<0.000000e+00> : vector<256x64xf32>
    %dot_general3A_258 = tpu.matmul %convert_element_type3A_140, %slice3A_256, %dot_general3A_257 {dimension_numbers = #tpu.dot_dimension_numbers<[1], [0], [0], [1], [0, 0, 1, 1], [], []>, precision = #tpu.contract_precision<fp32>, transpose_lhs_hint = false} : vector<256x256xf32>, vector<256x64xf32>, vector<256x64xf32> -> vector<256x64xf32>
    %add3A_259 = arith.addf %mul3A_65, %add3A_255 : vector<64xf32>
    %broadcast_in_dim3A_260 = vector.shape_cast %add3A_259 : vector<64xf32> to vector<1x64xf32>
    %add3A_261 = vector.broadcast %broadcast_in_dim3A_260 : vector<1x64xf32> to vector<256x64xf32>
    %add3A_262 = arith.addf %add3A_261, %dot_general3A_258 : vector<256x64xf32>
    %mul3A_263 = arith.mulf %slice3A_256, %add3A_262 : vector<256x64xf32>
    %reduce_sum3A_264 = arith.constant dense<0.000000e+00> : vector<256xf32>
    %reduce_sum3A_265 = vector.multi_reduction <add>, %mul3A_263, %reduce_sum3A_264 [1] : vector<256x64xf32> to vector<256xf32>
    %convert_element_type3A_266 = arith.fptosi %reduce_sum3A_265 : vector<256xf32> to vector<256xi32>
    %swap3A_267 = arith.constant 6 : index
    %swap3A_268 = arith.constant 0 : index
    %swap3A_269 = vector.load %arg2[%swap3A_267, %swap3A_268] : memref<8x256xi32, #tpu.memory_space<vmem>>, vector<1x256xi32>
    %swap3A_270 = vector.shape_cast %swap3A_269 : vector<1x256xi32> to vector<256xi32>
    %swap3A_271 = vector.shape_cast %convert_element_type3A_266 : vector<256xi32> to vector<1x256xi32>
    tpu.vector_store %arg2[%swap3A_267, %swap3A_268], %swap3A_271 {strides = array<i32>} : memref<8x256xi32, #tpu.memory_space<vmem>>, vector<1x256xi32>,
    %reduce_sum3A_272 = arith.constant dense<0.000000e+00> : vector<64xf32>
    %reduce_sum3A_273 = vector.multi_reduction <add>, %slice3A_256, %reduce_sum3A_272 [0] : vector<256x64xf32> to vector<64xf32>
    %add3A_274 = arith.addf %add3A_255, %reduce_sum3A_273 : vector<64xf32>
    %slice3A_275 = vector.extract_strided_slice %convert_element_type3A_19 {offsets = [1792, 0], sizes = [256, 64], strides = [1, 1]} : vector<2048x64xf32> to vector<256x64xf32>
    %dot_general3A_276 = arith.constant dense<0.000000e+00> : vector<256x64xf32>
    %dot_general3A_277 = tpu.matmul %convert_element_type3A_140, %slice3A_275, %dot_general3A_276 {dimension_numbers = #tpu.dot_dimension_numbers<[1], [0], [0], [1], [0, 0, 1, 1], [], []>, precision = #tpu.contract_precision<fp32>, transpose_lhs_hint = false} : vector<256x256xf32>, vector<256x64xf32>, vector<256x64xf32> -> vector<256x64xf32>
    %add3A_278 = arith.addf %mul3A_65, %add3A_274 : vector<64xf32>
    %broadcast_in_dim3A_279 = vector.shape_cast %add3A_278 : vector<64xf32> to vector<1x64xf32>
    %add3A_280 = vector.broadcast %broadcast_in_dim3A_279 : vector<1x64xf32> to vector<256x64xf32>
    %add3A_281 = arith.addf %add3A_280, %dot_general3A_277 : vector<256x64xf32>
    %mul3A_282 = arith.mulf %slice3A_275, %add3A_281 : vector<256x64xf32>
    %reduce_sum3A_283 = arith.constant dense<0.000000e+00> : vector<256xf32>
    %reduce_sum3A_284 = vector.multi_reduction <add>, %mul3A_282, %reduce_sum3A_283 [1] : vector<256x64xf32> to vector<256xf32>
    %convert_element_type3A_285 = arith.fptosi %reduce_sum3A_284 : vector<256xf32> to vector<256xi32>
    %swap3A_286 = arith.constant 7 : index
    %swap3A_287 = arith.constant 0 : index
    %swap3A_288 = vector.load %arg2[%swap3A_286, %swap3A_287] : memref<8x256xi32, #tpu.memory_space<vmem>>, vector<1x256xi32>
    %swap3A_289 = vector.shape_cast %swap3A_288 : vector<1x256xi32> to vector<256xi32>
    %swap3A_290 = vector.shape_cast %convert_element_type3A_285 : vector<256xi32> to vector<1x256xi32>
    tpu.vector_store %arg2[%swap3A_286, %swap3A_287], %swap3A_290 {strides = array<i32>} : memref<8x256xi32, #tpu.memory_space<vmem>>, vector<1x256xi32>,
    return
  }
}

module attributes {stable_mosaic.version = 14 : i64} {
  func.func @_ffn_body(%arg0: i32, %arg1: memref<95xi32, #tpu.memory_space<smem>>, %arg2: memref<95xi32, #tpu.memory_space<smem>>, %arg3: memref<95xi32, #tpu.memory_space<smem>>, %arg4: memref<64x768xf32, #tpu.memory_space<vmem>>, %arg5: memref<64x128xf32, #tpu.memory_space<vmem>>, %arg6: memref<1x768x1536xf32, #tpu.memory_space<vmem>>, %arg7: memref<1x768x1536xf32, #tpu.memory_space<vmem>>, %arg8: memref<1x1536x768xf32, #tpu.memory_space<vmem>>, %arg9: memref<64x768xf32, #tpu.memory_space<vmem>>) attributes {dimension_semantics = [#tpu.dimension_semantics<arbitrary>], iteration_bounds = array<i64: 95>, scalar_prefetch = 3 : i64, scratch_operands = 0 : i64, tpu.core_type = #tpu.core_type<tc>, window_params = [{transform_indices = @transform_0, window_bounds = array<i64: 64, 768>}, {transform_indices = @transform_1, window_bounds = array<i64: 64, 128>}, {transform_indices = @transform_2, window_bounds = array<i64: 1, 768, 1536>}, {transform_indices = @transform_3, window_bounds = array<i64: 1, 768, 1536>}, {transform_indices = @transform_4, window_bounds = array<i64: 1, 1536, 768>}, {transform_indices = @transform_5, window_bounds = array<i64: 64, 768>}]} {
    %get3A = arith.index_cast %arg0 : i32 to index
    %get3A_0 = memref.load %arg2[%get3A] : memref<95xi32, #tpu.memory_space<smem>>
    %ne3A = arith.constant 0 : i32
    %ne3A_1 = arith.cmpi ne, %get3A_0, %ne3A : i32
    %convert_element_type3A = arith.extui %ne3A_1 : i1 to i32
    %cond3A = arith.constant 0 : i32
    %cond3A_2 = arith.cmpi ne, %convert_element_type3A, %cond3A : i32
    scf.if %cond3A_2 {
      %get3A_3 = arith.constant 0 : index
      %get3A_4 = arith.constant 0 : index
      %get3A_5 = vector.load %arg4[%get3A_3, %get3A_4] : memref<64x768xf32, #tpu.memory_space<vmem>>, vector<64x768xf32>
      %get3A_6 = arith.constant 0 : index
      %get3A_7 = arith.constant 0 : index
      %get3A_8 = arith.constant 0 : index
      %get3A_9 = vector.load %arg6[%get3A_6, %get3A_7, %get3A_8] : memref<1x768x1536xf32, #tpu.memory_space<vmem>>, vector<1x768x1536xf32>
      %get3A_10 = vector.shape_cast %get3A_9 : vector<1x768x1536xf32> to vector<768x1536xf32>
      %dot_general3A = arith.constant dense<0.000000e+00> : vector<64x1536xf32>
      %dot_general3A_11 = tpu.matmul %get3A_5, %get3A_10, %dot_general3A {dimension_numbers = #tpu.dot_dimension_numbers<[1], [0], [0], [1], [0, 0, 1, 1], [], []>, transpose_lhs_hint = false} : vector<64x768xf32>, vector<768x1536xf32>, vector<64x1536xf32> -> vector<64x1536xf32>
      %logistic3A = arith.negf %dot_general3A_11 : vector<64x1536xf32>
      %logistic3A_12 = math.exp %logistic3A : vector<64x1536xf32>
      %logistic3A_13 = arith.constant 1.000000e+00 : f32
      %logistic3A_14 = vector.broadcast %logistic3A_13 : f32 to vector<64x1536xf32>
      %logistic3A_15 = arith.addf %logistic3A_14, %logistic3A_12 : vector<64x1536xf32>
      %logistic3A_16 = arith.divf %logistic3A_14, %logistic3A_15 : vector<64x1536xf32>
      %mul3A = arith.mulf %dot_general3A_11, %logistic3A_16 : vector<64x1536xf32>
      %get3A_17 = arith.constant 0 : index
      %get3A_18 = arith.constant 0 : index
      %get3A_19 = arith.constant 0 : index
      %get3A_20 = vector.load %arg7[%get3A_17, %get3A_18, %get3A_19] : memref<1x768x1536xf32, #tpu.memory_space<vmem>>, vector<1x768x1536xf32>
      %get3A_21 = vector.shape_cast %get3A_20 : vector<1x768x1536xf32> to vector<768x1536xf32>
      %dot_general3A_22 = arith.constant dense<0.000000e+00> : vector<64x1536xf32>
      %dot_general3A_23 = tpu.matmul %get3A_5, %get3A_21, %dot_general3A_22 {dimension_numbers = #tpu.dot_dimension_numbers<[1], [0], [0], [1], [0, 0, 1, 1], [], []>, transpose_lhs_hint = false} : vector<64x768xf32>, vector<768x1536xf32>, vector<64x1536xf32> -> vector<64x1536xf32>
      %mul3A_24 = arith.mulf %mul3A, %dot_general3A_23 : vector<64x1536xf32>
      %get3A_25 = arith.constant 0 : index
      %get3A_26 = arith.constant 0 : index
      %get3A_27 = arith.constant 0 : index
      %get3A_28 = vector.load %arg8[%get3A_25, %get3A_26, %get3A_27] : memref<1x1536x768xf32, #tpu.memory_space<vmem>>, vector<1x1536x768xf32>
      %get3A_29 = vector.shape_cast %get3A_28 : vector<1x1536x768xf32> to vector<1536x768xf32>
      %dot_general3A_30 = arith.constant dense<0.000000e+00> : vector<64x768xf32>
      %dot_general3A_31 = tpu.matmul %mul3A_24, %get3A_29, %dot_general3A_30 {dimension_numbers = #tpu.dot_dimension_numbers<[1], [0], [0], [1], [0, 0, 1, 1], [], []>, transpose_lhs_hint = false} : vector<64x1536xf32>, vector<1536x768xf32>, vector<64x768xf32> -> vector<64x768xf32>
      %get3A_32 = arith.constant 0 : index
      %get3A_33 = arith.constant 0 : index
      %get3A_34 = vector.load %arg5[%get3A_32, %get3A_33] : memref<64x128xf32, #tpu.memory_space<vmem>>, vector<64x1xf32>
      %mul3A_35 = vector.broadcast %get3A_34 : vector<64x1xf32> to vector<64x768xf32>
      %mul3A_36 = arith.mulf %dot_general3A_31, %mul3A_35 : vector<64x768xf32>
      %swap3A = arith.constant 0 : index
      %swap3A_37 = arith.constant 0 : index
      %swap3A_38 = vector.load %arg9[%swap3A, %swap3A_37] : memref<64x768xf32, #tpu.memory_space<vmem>>, vector<64x768xf32>
      tpu.vector_store %arg9[%swap3A, %swap3A_37], %mul3A_36 {strides = array<i32>} : memref<64x768xf32, #tpu.memory_space<vmem>>, vector<64x768xf32>,
    } else {
    }
    return
  }
  func.func @transform_0(%arg0: i32, %arg1: memref<95xi32, #tpu.memory_space<smem>>, %arg2: memref<95xi32, #tpu.memory_space<smem>>, %arg3: memref<95xi32, #tpu.memory_space<smem>>) -> (i32, i32) {
    %get3A = arith.index_cast %arg0 : i32 to index
    %get3A_0 = memref.load %arg3[%get3A] : memref<95xi32, #tpu.memory_space<smem>>
    %c0_i32 = arith.constant 0 : i32
    %c0_i32_1 = arith.constant 0 : i32
    return %get3A_0, %c0_i32 : i32, i32
  }
  func.func @transform_1(%arg0: i32, %arg1: memref<95xi32, #tpu.memory_space<smem>>, %arg2: memref<95xi32, #tpu.memory_space<smem>>, %arg3: memref<95xi32, #tpu.memory_space<smem>>) -> (i32, i32) {
    %get3A = arith.index_cast %arg0 : i32 to index
    %get3A_0 = memref.load %arg3[%get3A] : memref<95xi32, #tpu.memory_space<smem>>
    %c0_i32 = arith.constant 0 : i32
    %c0_i32_1 = arith.constant 0 : i32
    return %get3A_0, %c0_i32 : i32, i32
  }
  func.func @transform_2(%arg0: i32, %arg1: memref<95xi32, #tpu.memory_space<smem>>, %arg2: memref<95xi32, #tpu.memory_space<smem>>, %arg3: memref<95xi32, #tpu.memory_space<smem>>) -> (i32, i32, i32) {
    %get3A = arith.index_cast %arg0 : i32 to index
    %get3A_0 = memref.load %arg1[%get3A] : memref<95xi32, #tpu.memory_space<smem>>
    %c0_i32 = arith.constant 0 : i32
    %c0_i32_1 = arith.constant 0 : i32
    %c0_i32_2 = arith.constant 0 : i32
    return %get3A_0, %c0_i32, %c0_i32_1 : i32, i32, i32
  }
  func.func @transform_3(%arg0: i32, %arg1: memref<95xi32, #tpu.memory_space<smem>>, %arg2: memref<95xi32, #tpu.memory_space<smem>>, %arg3: memref<95xi32, #tpu.memory_space<smem>>) -> (i32, i32, i32) {
    %get3A = arith.index_cast %arg0 : i32 to index
    %get3A_0 = memref.load %arg1[%get3A] : memref<95xi32, #tpu.memory_space<smem>>
    %c0_i32 = arith.constant 0 : i32
    %c0_i32_1 = arith.constant 0 : i32
    %c0_i32_2 = arith.constant 0 : i32
    return %get3A_0, %c0_i32, %c0_i32_1 : i32, i32, i32
  }
  func.func @transform_4(%arg0: i32, %arg1: memref<95xi32, #tpu.memory_space<smem>>, %arg2: memref<95xi32, #tpu.memory_space<smem>>, %arg3: memref<95xi32, #tpu.memory_space<smem>>) -> (i32, i32, i32) {
    %get3A = arith.index_cast %arg0 : i32 to index
    %get3A_0 = memref.load %arg1[%get3A] : memref<95xi32, #tpu.memory_space<smem>>
    %c0_i32 = arith.constant 0 : i32
    %c0_i32_1 = arith.constant 0 : i32
    %c0_i32_2 = arith.constant 0 : i32
    return %get3A_0, %c0_i32, %c0_i32_1 : i32, i32, i32
  }
  func.func @transform_5(%arg0: i32, %arg1: memref<95xi32, #tpu.memory_space<smem>>, %arg2: memref<95xi32, #tpu.memory_space<smem>>, %arg3: memref<95xi32, #tpu.memory_space<smem>>) -> (i32, i32) {
    %get3A = arith.index_cast %arg0 : i32 to index
    %get3A_0 = memref.load %arg3[%get3A] : memref<95xi32, #tpu.memory_space<smem>>
    %c0_i32 = arith.constant 0 : i32
    %c0_i32_1 = arith.constant 0 : i32
    return %get3A_0, %c0_i32 : i32, i32
  }
}

</mosaic_0001>

<sc_bundles>
// kernel: kernel.6.cloned.1.call-start
scs
__scs_entry_jumppad:
0x0: {  	(pc) =	sbr.rel $0x88, $3  }
0x1: {  	(tag) =	ssettag $0x0;
	lr =	simm.s32 $0x1  }
0x2: {  	[smem:$0x3F9C] =	sst lr;
	_ =	strace $0xD0000000  }
0x3: {  	_ = 	snop  }
0x4: {  	_ = 	snop  }
0x5: {  	_ = 	snop  }
0x6: {  	_ = 	snop  }
0x7: {  	_ = 	snop  }
__scs_overlays_trampoline_lowered:
0x8: {  	[smem:$0x3FAB] =	sst s0  }
0x9: {  	[smem:$0x3FAC] =	sst s1  }
0xa: {  	[smem:$0x3FAD] =	sst s2  }
0xb: {  	[smem:$0x3FAE] =	sst s3  }
0xc: {  	[smem:$0x3FAF] =	sst s4  }
0xd: {  	[smem:$0x3FB0] =	sst s5  }
0xe: {  	[smem:$0x3FB1] =	sst s6  }
0xf: {  	[smem:$0x3FB2] =	sst s7  }
0x10: {  	[smem:$0x3FB3] =	sst s8  }
0x11: {  	[smem:$0x3FB4] =	sst s9;
	s0 =	simm.s32 @!p0 $0x0  }
0x12: {  	s1 =	sld [smem:$0x3F9A];
	s0 =	simm.s32 @p0 $0x1  }
0x13: {  	[smem:$0x3FB5] =	sst s0;
	s0 =	simm.s32 @!p1 $0x0  }
0x14: {  	s2 =	sld [smem:$0x3F99];
	s0 =	simm.s32 @p1 $0x1  }
0x15: {  	[smem:$0x3FB6] =	sst s0;
	s0 =	simm.s32 @!p2 $0x0  }
0x16: {  	s3 =	sld [smem:$0x3FDB];
	s0 =	simm.s32 @p2 $0x1  }
0x17: {  	s4 =	simm.s32 $0x1BF5;
	[smem:$0x3FB8] =	sst s0  }
0x18: {  	s0 =	sld [smem:$0x3F9B];
	_ =	swait.ge [sflag:s4], $0x0  }
0x19: {  	s7 =	sld [smem:$0x3F9C]  }
0x1a: {  	s8 =	sadd.s32 $0xFFFFE003, lr  }
0x1b: {  	s9 =	sadd.s32 $0xFFFFFEF7, lr;
	s5 =	simm.s32 $0xFFFFFFFF;
	p2 =	slt.u32 s8, $0xFFFFF086  }
0x1c: {  	p1 =	slt.u32 s9, $0xF7A;
	s5 =	simm.s32 @!p2 $0x0  }
0x1d: {  	s5 =	simm.s32 @p1 $0x1;
	p0 =	seq.s32 s7, s2  }
0x1e: {  	s7 =	smul.u32 @!p0 $0xF7A, s2;
	p2 =	seq.s32 @!p0 s5, $0x0  }
0x1f: {  	s9 =	smul.u32 $0xF7A, s1;
	s8 =	simm.s32 @!p0 $0x1BF5;
	p2 =	por !p2, p0  }
0x20: {  	[sflag:s8] =	ssyncset.s32 @!p0 $0xFFFFF086;
	s6 =	sadd.s32 @!p0 s3, s7;
	s7 =	simm.s32 @!p0 $0x108  }
0x21: {  	s3 =	sadd.s32 s3, s9;
	s6 =	sadd.s32 @!p0 $0x88, s6;
	s7 =	simm.s32 @p2 $0x1082  }
0x22: {  	[simem:s7], [sflag:s8] =	dma.local @!p0 [hbm:s6], $0xF7A  }
0x23: {  	s9 =	sor.u32 $0xD0000000, s2;
	s6 =	simm.s32 $0x108;
	_ =	swait.ge @!p0 [sflag:s8], $0x0  }
0x24: {  	s3 =	sadd.s32 $0x88, s3;
	s6 =	simm.s32 @!p1 $0x1082;
	[sflag:s4] =	ssyncset.s32 $0xFFFFF086  }
0x25: {  	[simem:s6], [sflag:s4] =	dma.local [hbm:s3], $0xF7A  }
0x26: {  	[smem:$0x3F9C] =	sst s1;
	(tag) =	ssettag s2;
	_ =	strace s9  }
0x27: {  	s1 =	sld [smem:$0x3FAC]  }
0x28: {  	s2 =	sld [smem:$0x3FAD]  }
0x29: {  	s4 =	sld [smem:$0x3FAF]  }
0x2a: {  	p0 =	seq.s32 s5, $0x0;
	s5 =	sld [smem:$0x3FB0]  }
0x2b: {  	s6 =	sld [smem:$0x3FB1]  }
0x2c: {  	s7 =	sld [smem:$0x3FB2]  }
0x2d: {  	s3 =	simm.s32 $0x108;
	s8 =	sld [smem:$0x3FB3]  }
0x2e: {  	s3 =	simm.s32 @!p0 $0x1082;
	s9 =	sld [smem:$0x3FB4]  }
0x2f: {  	lr =	sadd.s32 s0, s3;
	s0 =	sld [smem:$0x3FAB]  }
0x30: {  	s3 =	sld [smem:$0x3FAE]  }
0x31: {  	[smem:$0x3FB7] =	sst s10  }
0x32: {  	s10 =	sld [smem:$0x3FB5];
	_ =	sdelay $0x3  }
0x33: {  	p0 =	seq.s32 s10, $0x1;
	s10 =	sld [smem:$0x3FB7];
	_ =	sdelay $0x3  }
0x34: {  	[smem:$0x3FB7] =	sst s10  }
0x35: {  	s10 =	sld [smem:$0x3FB6];
	_ =	sdelay $0x3  }
0x36: {  	p1 =	seq.s32 s10, $0x1;
	s10 =	sld [smem:$0x3FB7];
	_ =	sdelay $0x3  }
0x37: {  	[smem:$0x3FB7] =	sst s10  }
0x38: {  	s10 =	sld [smem:$0x3FB8]  }
0x39: {  	_ = 	snop;
	(pc) =	sbr.ind lr, $3  }
0x3a: {  	_ = 	snop  }
0x3b: {  	_ = 	snop  }
0x3c: {  	p2 =	seq.s32 s10, $0x1;
	s10 =	sld [smem:$0x3FB7]  }
0x3d: {  	_ =	shalt  }
0x3e: {  	_ =	shalt  }
0x3f: {  	_ =	shalt  }
0x40: {  	_ =	shalt  }
0x41: {  	_ =	shalt  }
0x42: {  	_ =	shalt  }
0x43: {  	_ =	shalt  }
0x44: {  	_ =	shalt  }
0x45: {  	_ =	shalt  }
0x46: {  	_ =	shalt  }
0x47: {  	_ =	shalt  }
0x48: {  	_ =	shalt  }
0x49: {  	_ =	shalt  }
0x4a: {  	_ =	shalt  }
0x4b: {  	_ =	shalt  }
0x4c: {  	_ =	shalt  }
0x4d: {  	_ =	shalt  }
0x4e: {  	_ =	shalt  }
0x4f: {  	_ =	shalt  }
0x50: {  	_ =	shalt  }
0x51: {  	_ =	shalt  }
0x52: {  	_ =	shalt  }
0x53: {  	_ =	shalt  }
0x54: {  	_ =	shalt  }
0x55: {  	_ =	shalt  }
0x56: {  	_ =	shalt  }
0x57: {  	_ =	shalt  }
0x58: {  	_ =	shalt  }
0x59: {  	_ =	shalt  }
0x5a: {  	_ =	shalt  }
0x5b: {  	_ =	shalt  }
0x5c: {  	_ =	shalt  }
0x5d: {  	_ =	shalt  }
0x5e: {  	_ =	shalt  }
0x5f: {  	_ =	shalt  }
0x60: {  	_ =	shalt  }
0x61: {  	_ =	shalt  }
0x62: {  	_ =	shalt  }
0x63: {  	_ =	shalt  }
0x64: {  	_ =	shalt  }
0x65: {  	_ =	shalt  }
0x66: {  	_ =	shalt  }
0x67: {  	_ =	shalt  }
0x68: {  	_ =	shalt  }
0x69: {  	_ =	shalt  }
0x6a: {  	_ =	shalt  }
0x6b: {  	_ =	shalt  }
0x6c: {  	_ =	shalt  }
0x6d: {  	_ =	shalt  }
0x6e: {  	_ =	shalt  }
0x6f: {  	_ =	shalt  }
0x70: {  	_ =	shalt  }
0x71: {  	_ =	shalt  }
0x72: {  	_ =	shalt  }
0x73: {  	_ =	shalt  }
0x74: {  	_ =	shalt  }
0x75: {  	_ =	shalt  }
0x76: {  	_ =	shalt  }
0x77: {  	_ =	shalt  }
0x78: {  	_ =	shalt  }
0x79: {  	_ =	shalt  }
0x7a: {  	_ =	shalt  }
0x7b: {  	_ =	shalt  }
0x7c: {  	_ =	shalt  }
0x7d: {  	_ =	shalt  }
0x7e: {  	_ =	shalt  }
0x7f: {  	_ =	shalt  }
0x80: {  	_ =	shalt  }
0x81: {  	_ =	shalt  }
0x82: {  	_ =	shalt  }
0x83: {  	_ =	shalt  }
0x84: {  	_ =	shalt  }
0x85: {  	_ =	shalt  }
0x86: {  	_ =	shalt  }
0x87: {  	_ =	shalt  }
.Lfunc_end0:
.L_simem_size_0:
called_computation_lowered:
.L_overlay_start_0:
0x88: {  	s2 =	sld [smem:$0x3FD9]  }
0x89: {  	s3 =	sld [smem:$0x3FFE];
	_ =	sdelay $0x1  }
0x8a: {  	s1 =	srdreg.scid  }
0x8b: {  	s0 =	sand.u32 $0x1, s1  }
0x8c: {  	s14 =	sshll.u32 s0, $0xA;
	s2 =	sadd.s32 s3, s2  }
0x8d: {  	s2 =	sadd.s32 s2, s14  }
0x8e: {  	[smem:$0x3FC3] =	sst s2  }
0x8f: {  	_ = 	snop  }
0x90: {  	s2 =	sld [smem:$0x3FD0];
	_ =	sdelay $0x2  }
0x91: {  	s4 =	simm.s32 $0xA;
	s5 =	simm.s32 $0x10;
	s15 =	sld [smem:$0x3FC9]  }
0x92: {  	[smem:s5], [sflag:s4] =	dma.local [hbm:s2], $0x1  }
0x93: {  	_ =	swait.eq [sflag:s4], $0x1  }
0x94: {  	[sflag:s4] =	ssyncset.done $0x0  }
0x95: {  	[sflag:s4] =	ssyncadd.s32 $0xFFFFFFFF  }
0x96: {  	s16 =	sld [smem:$0x10];
	(tm) =	ssettm $0x1  }
0x97: {  	s17 =	sld [smem:$0x3FFB];
	_ =	sdelay $0x3  }
0x98: {  	_ =	strace s17  }
0x99: {  	s4 =	sld [smem:$0x3FFC];
	_ =	sdelay $0x3  }
0x9a: {  	_ =	strace s4  }
0x9b: {  	s4 =	sld [smem:$0x3FFD];
	_ =	sdelay $0x3  }
0x9c: {  	_ =	strace s4  }
0x9d: {  	_ =	strace $0x8FFFFFFF  }
0x9e: {  	s18 =	sld [smem:$0x3FDB];
	_ =	sdelay $0x1  }
0x9f: {  	s19 =	simm.s32 $_scs_section_size  }
0xa0: {  	s6 =	simm.s32 $_size__tile_overlayer_lowered;
	s7 =	simm.s32 $_tile_overlayer_lowered  }
0xa1: {  	s22 =	simm.s32 $0x1BFF;
	s21 =	sshll.u32 s7, $0x1;
	s4 =	sadd.s32 s19, s18  }
0xa2: {  	s8 =	simm.s32 $0x0;
	s20 =	sshll.u32 s6, $0x1;
	s6 =	sadd.s32 s21, s4  }
0xa3: {  	[timem:s8], [sflag:s22] =	dma.local [hbm:s6], s20  }
0xa4: {  	_ =	swait.ge [sflag:s22], s20  }
0xa5: {  	s5 =	ssub.s32 $0x0, s20;
	[sflag:s22] =	ssyncset.done $0x0  }
0xa6: {  	[sflag:s22] =	ssyncadd.s32 s5;
	_ =	sdelay $0x1  }
0xa7: {  	s23 =	simm.s32 $0x1B8B  }
0xa8: {  	_ =	swait.ge [sflag:s23], $0x1  }
0xa9: {  	[sflag:s23] =	ssyncset.done $0x0  }
0xaa: {  	s25 =	simm.s32 $0x1B8E;
	s24 =	sld [smem:$0x3FFE];
	[sflag:s23] =	ssyncadd.s32 $0xFFFFFFFF  }
0xab: {  	s26 =	simm.s32 $execute0_lowered;
	[smem:$0x3FD2] =	sst s25  }
0xac: {  	s6 =	sshll.u32 s26, $0x1;
	_ =	strace $0x80000046;
	[dreg:$0x1] =	wrdreg $0xFFFFFFFF  }
0xad: {  	s28 =	simm.s32 $_size_execute0_lowered;
	s4 =	sadd.s32 s4, s6;
	[dreg:$0x0] =	wrdreg $0x0  }
0xae: {  	s6 =	sshll.u32 s28, $0x1;
	[dreg:$0x2] =	wrdreg s4  }
0xaf: {  	[dreg:$0x3] =	wrdreg s6  }
0xb0: {  	[dreg:$0x4] =	wrdreg $0xC0  }
0xb1: {  	_ =	task [dreg:s8], $0x5FFFF  }
0xb2: {  	[dreg:$0x1] =	wrdreg $0xFFFFFFFF  }
0xb3: {  	[dreg:$0x0] =	wrdreg $0x60  }
0xb4: {  	[dreg:$0x2] =	wrdreg s15  }
0xb5: {  	[dreg:$0x3] =	wrdreg s24  }
0xb6: {  	[dreg:$0x4] =	wrdreg s16  }
0xb7: {  	[dreg:$0x5] =	wrdreg $0x9  }
0xb8: {  	_ =	task.clear_ibuf [dreg:s8], $0x6FFFF;
	_ =	strace $0x90000046  }
0xb9: {  	s29 =	simm.s32 $0x9;
	_ =	strace $0x80000048  }
0xba: {  	_ =	swait.ge [sflag:s29], $0x1  }
0xbb: {  	[sflag:s29] =	ssyncadd.s32 $0xFFFFFFFF  }
0xbc: {  	_ =	strace $0x90000048  }
0xbd: {  	_ =	sfence  }
0xbe: {  	s30 =	sld [smem:$0x0];
	_ =	sdelay $0x2  }
0xbf: {  	s31 =	sshll.u32 s1, $0xD;
	s1 =	sshrl.u32 s1, $0x2  }
0xc0: {  	s3 =	sand.u32 $0x4000, s31;
	s1 =	sadd.s32 s1, s30  }
0xc1: {  	s0 =	sor.u32 s3, s0;
	s1 =	sshll.u32 s1, $0x11  }
0xc2: {  	s0 =	sor.u32 s1, s0  }
0xc3: {  	s0 =	sadd.s32 $0x8F2B, s0  }
0xc4: {  	[sflag:s0] =	ssyncadd.remote.s32 $0x1  }
0xc5: {  	_ =	sfence.sel $0xFFFF  }
0xc6: {  	[dreg:$0x0] =	wrdreg $0xFFFFFFFF;
	(pc) =	sbr.abs _section_cstart, $3  }
0xc7: {  	[dreg:$0x1] =	wrdreg $0xFFFFFFFF  }
0xc8: {  	_ =	task.clear_ibuf [dreg:s8], $0x2FFFF;
	_ =	strace $0x9FFFFFFF  }
0xc9: {  	(tm) =	ssettm $0x7FFFFFFF  }
tec
execute0_lowered:
.L_overlay_start_1:
0x0: {  	(tag) =	ssettag $0x1  }
0x1: {  	s1 =	rddreg [dreg:$0x0]  }
0x2: {  	s5 =	rddreg [dreg:$0x1];
	s2 =	srdreg.scid  }
0x3: {  	s3 =	rddreg [dreg:$0x2];
	s0 =	stileid.u32;
	s23 =	simm.s32 $0x880  }
0x4: {  	s24 =	simm.s32 $0x1080;
	s25 =	simm.s32 $0x1880;
	s8 =	simm.s32 $0x80  }
0x5: {  	s26 =	simm.s32 $0x2080;
	s9 =	simm.s32 $0xC080;
	s11 =	simm.s32 $0x3080  }
0x6: {  	s12 =	simm.s32 $0x3880;
	s13 =	simm.s32 $0x4080;
	s14 =	simm.s32 $0x4880  }
0x7: {  	s15 =	simm.s32 $0x5080;
	s16 =	simm.s32 $0x5880;
	s17 =	simm.s32 $0x6080  }
0x8: {  	s18 =	simm.s32 $0x6880;
	s19 =	simm.s32 $0x7080;
	s28 =	simm.s32 $0xB080  }
0x9: {  	s4 =	sand.u32 $0x1, s2;
	[dreg:$0x4] =	wrdreg s3;
	s2 =	simm.s32 $0x0  }
0xa: {  	s29 =	simm.s32 $0xB880;
	s30 =	simm.s32 $0x40;
	[smem:$0x7FF] =	sst s2  }
0xb: {  	s31 =	simm.s32 $0x1;
	_ =	strace $0x80000047;
	[dreg:$0x8] =	wrdreg s23  }
0xc: {  	s20 =	sshll.u32 s0, $0x7;
	s6 =	sshll.u32 s4, $0x6;
	[dreg:$0x9] =	wrdreg s24  }
0xd: {  	s4 =	ssub.s32 $0x2, s4;
	s3 =	sor.u32 s6, s20;
	[dreg:$0xa] =	wrdreg s25  }
0xe: {  	s21 =	sshrl.u32 s4, $0x1;
	[dreg:$0xb] =	wrdreg s26;
	s20 =	simm.s32 $0x7880  }
0xf: {  	s23 =	simm.s32 $0x9080;
	s24 =	simm.s32 $0x9880;
	s25 =	simm.s32 $0xA080  }
0x10: {  	s26 =	simm.s32 $0xA880;
	s6 =	sshrl.u32 s3, $0x3;
	s3 =	sshll.u32 s3, $0x4  }
0x11: {  	s7 =	sadd.s32 s6, s5;
	s6 =	smul.u32 $0x300, s6;
	s3 =	sadd.s32 s3, s5  }
0x12: {  	s7 =	sadd.s32 $0x9E00, s7;
	s22 =	sadd.s32 $0x1800, s3;
	s3 =	sadd.s32 $0xA000, s5  }
0x13: {  	[dreg:$0x5] =	wrdreg s7;
	s1 =	sadd.s32 s1, s6;
	s6 =	ssub.s32 s4, s21  }
0x14: {  	v2 =	vlaneseq.u32;
	[dreg:$0x7] =	wrdreg s22;
	s4 =	sadd.s32 $0xA100, s5;
	s5 =	sadd.s32 $0xA200, s5  }
0x15: {  	vm0 =	vmmov $0xffff;
	v1 =	vshrl.u32 v2, $0x3;
	s7 =	simm.s32 $0x3;
	s21 =	simm.s32 $0x8080;
	s22 =	simm.s32 $0x8880  }
0x16: {  	v0 =	vand.u32 $0x7, v2;
	v2 =	vor.u32 $0x8, v2;
	v1 =	vmul.u32 $0x8, v1;
	[dreg:$0x6] =	wrdreg s1;
	s6 =	smax.u32 s6, $0x1;
	s1 =	simm.s32 $0x2  }
.LBB2_1:
0x17: {  	s0 =	rddreg [dreg:$0x5]  }
0x18: {  	[tilespmem:s2], [sflag:$0x3] =	stream.linear.gather [hbm4b:s0+s2], $0x40, $0x38;
	[tilespmem:$0xE080] =	vst v63  }
0x19: {  	_ =	swait.ge [sflag:s7], $0x40  }
0x1a: {  	[sflag:s7] =	ssyncset.done $0x0  }
0x1b: {  	s10 =	rddreg [dreg:$0x6];
	[sflag:s7] =	ssyncadd.s32 $0xFFFFFFC0  }
0x1c: {  	[tilespmem:s8], [sflag:$0x3] =	stream.linear.gather [hbm4b:s10+s2], $0xC000, $0x38;
	[tilespmem:$0xE080] =	vst v63  }
0x1d: {  	_ =	swait.ge [sflag:s7], $0xC000  }
0x1e: {  	[sflag:s7] =	ssyncset.done $0x0  }
0x1f: {  	s10 =	rddreg [dreg:$0x7];
	[sflag:s7] =	ssyncadd.s32 $0xFFFF4000  }
0x20: {  	[tilespmem:s9], [sflag:$0x3] =	stream.linear.gather [hbm4b:s10+s2], $0x2000, $0x38;
	[tilespmem:$0xE080] =	vst v63  }
0x21: {  	_ =	swait.ge [sflag:s7], $0x2000  }
0x22: {  	[sflag:s7] =	ssyncset.done $0x0  }
0x23: {  	[sflag:s7] =	ssyncadd.s32 $0xFFFFE000  }
0x24: {  	v3 =	vld [tilespmem:$0x0];
	_ =	sdelay $0x4  }
0x25: {  	v4 =	vshrl.u32 v3, $0x3  }
0x26: {  	v4 =	vmul.u32 $0x30, v4  }
0x27: {  	v3 =	vand.u32 $0x7, v3  }
0x28: {  	v3 =	vor.u32 v3, v4  }
0x29: {  	v4 =	vperm.xlane v3, v0;
	_ =	sdelay $0x1  }
0x2a: {  	v4 =	vadd.s32 v1, v4;
	_ =	sdelay $0x3  }
0x2b: {  	v3 =	vperm.xlane v3, v2  }
0x2c: {  	[hbm4b:s3+s2] =	stream.indirect_vreg.scatter [tilespmem:s8], [sflag:$0x1], $0x80, v4, vm0, $0xb8;
	[tilespmem:$0xE080] =	vst v63  }
0x2d: {  	s0 =	rddreg [dreg:$0x8];
	v3 =	vadd.s32 v1, v3  }
0x2e: {  	[hbm4b:s4+s2] =	stream.indirect_vreg.scatter [tilespmem:s0], [sflag:$0x1], $0x80, v4, vm0, $0xb8;
	[tilespmem:$0xE080] =	vst v63  }
0x2f: {  	s10 =	rddreg [dreg:$0x9]  }
0x30: {  	[hbm4b:s5+s2] =	stream.indirect_vreg.scatter [tilespmem:s10], [sflag:$0x1], $0x80, v4, vm0, $0xb8;
	[tilespmem:$0xE080] =	vst v63  }
0x31: {  	s0 =	rddreg [dreg:$0xa]  }
0x32: {  	[hbm4b:s3+s2] =	stream.indirect_vreg.scatter [tilespmem:s0], [sflag:$0x1], $0x80, v3, vm0, $0xb8;
	[tilespmem:$0xE080] =	vst v63  }
0x33: {  	s10 =	rddreg [dreg:$0xb]  }
0x34: {  	[hbm4b:s4+s2] =	stream.indirect_vreg.scatter [tilespmem:s10], [sflag:$0x1], $0x80, v3, vm0, $0xb8;
	[tilespmem:$0xE080] =	vst v63  }
0x35: {  	s10 =	simm.s32 $0x2880  }
0x36: {  	[hbm4b:s5+s2] =	stream.indirect_vreg.scatter [tilespmem:s10], [sflag:$0x1], $0x80, v3, vm0, $0xb8;
	[tilespmem:$0xE080] =	vst v63  }
0x37: {  	v3 =	vld [tilespmem:$0x10];
	_ =	sdelay $0x4  }
0x38: {  	v61 =	vshrl.u32 v3, $0x3  }
0x39: {  	v4 =	vmul.u32 $0x30, v61  }
0x3a: {  	v3 =	vand.u32 $0x7, v3  }
0x3b: {  	v3 =	vor.u32 v3, v4  }
0x3c: {  	v4 =	vperm.xlane v3, v0;
	_ =	sdelay $0x1  }
0x3d: {  	v4 =	vadd.s32 v1, v4;
	_ =	sdelay $0x3  }
0x3e: {  	v3 =	vperm.xlane v3, v2  }
0x3f: {  	[hbm4b:s3+s2] =	stream.indirect_vreg.scatter [tilespmem:s11], [sflag:$0x1], $0x80, v4, vm0, $0xb8;
	[tilespmem:$0xE080] =	vst v63  }
0x40: {  	v3 =	vadd.s32 v1, v3  }
0x41: {  	[hbm4b:s4+s2] =	stream.indirect_vreg.scatter [tilespmem:s12], [sflag:$0x1], $0x80, v4, vm0, $0xb8;
	[tilespmem:$0xE080] =	vst v63  }
0x42: {  	_ = 	snop  }
0x43: {  	[hbm4b:s5+s2] =	stream.indirect_vreg.scatter [tilespmem:s13], [sflag:$0x1], $0x80, v4, vm0, $0xb8;
	[tilespmem:$0xE080] =	vst v63  }
0x44: {  	_ = 	snop  }
0x45: {  	[hbm4b:s3+s2] =	stream.indirect_vreg.scatter [tilespmem:s14], [sflag:$0x1], $0x80, v3, vm0, $0xb8;
	[tilespmem:$0xE080] =	vst v63  }
0x46: {  	_ = 	snop  }
0x47: {  	[hbm4b:s4+s2] =	stream.indirect_vreg.scatter [tilespmem:s15], [sflag:$0x1], $0x80, v3, vm0, $0xb8;
	[tilespmem:$0xE080] =	vst v63  }
0x48: {  	_ = 	snop  }
0x49: {  	[hbm4b:s5+s2] =	stream.indirect_vreg.scatter [tilespmem:s16], [sflag:$0x1], $0x80, v3, vm0, $0xb8;
	[tilespmem:$0xE080] =	vst v63  }
0x4a: {  	v3 =	vld [tilespmem:$0x20];
	_ =	sdelay $0x4  }
0x4b: {  	v62 =	vshrl.u32 v3, $0x3  }
0x4c: {  	v4 =	vmul.u32 $0x30, v62  }
0x4d: {  	v3 =	vand.u32 $0x7, v3  }
0x4e: {  	v3 =	vor.u32 v3, v4  }
0x4f: {  	v4 =	vperm.xlane v3, v0;
	_ =	sdelay $0x1  }
0x50: {  	v4 =	vadd.s32 v1, v4;
	_ =	sdelay $0x3  }
0x51: {  	v3 =	vperm.xlane v3, v2  }
0x52: {  	[hbm4b:s3+s2] =	stream.indirect_vreg.scatter [tilespmem:s17], [sflag:$0x1], $0x80, v4, vm0, $0xb8;
	[tilespmem:$0xE080] =	vst v63  }
0x53: {  	v3 =	vadd.s32 v1, v3  }
0x54: {  	[hbm4b:s4+s2] =	stream.indirect_vreg.scatter [tilespmem:s18], [sflag:$0x1], $0x80, v4, vm0, $0xb8;
	[tilespmem:$0xE080] =	vst v63  }
0x55: {  	_ = 	snop  }
0x56: {  	[hbm4b:s5+s2] =	stream.indirect_vreg.scatter [tilespmem:s19], [sflag:$0x1], $0x80, v4, vm0, $0xb8;
	[tilespmem:$0xE080] =	vst v63  }
0x57: {  	_ = 	snop  }
0x58: {  	[hbm4b:s3+s2] =	stream.indirect_vreg.scatter [tilespmem:s20], [sflag:$0x1], $0x80, v3, vm0, $0xb8;
	[tilespmem:$0xE080] =	vst v63  }
0x59: {  	_ = 	snop  }
0x5a: {  	[hbm4b:s4+s2] =	stream.indirect_vreg.scatter [tilespmem:s21], [sflag:$0x1], $0x80, v3, vm0, $0xb8;
	[tilespmem:$0xE080] =	vst v63  }
0x5b: {  	_ = 	snop  }
0x5c: {  	[hbm4b:s5+s2] =	stream.indirect_vreg.scatter [tilespmem:s22], [sflag:$0x1], $0x80, v3, vm0, $0xb8;
	[tilespmem:$0xE080] =	vst v63  }
0x5d: {  	v3 =	vld [tilespmem:$0x30];
	_ =	sdelay $0x4  }
0x5e: {  	v63 =	vshrl.u32 v3, $0x3  }
0x5f: {  	v4 =	vmul.u32 $0x30, v63  }
0x60: {  	v3 =	vand.u32 $0x7, v3  }
0x61: {  	v3 =	vor.u32 v3, v4  }
0x62: {  	v4 =	vperm.xlane v3, v0;
	_ =	sdelay $0x1  }
0x63: {  	v4 =	vadd.s32 v1, v4;
	_ =	sdelay $0x3  }
0x64: {  	v3 =	vperm.xlane v3, v2  }
0x65: {  	[hbm4b:s3+s2] =	stream.indirect_vreg.scatter [tilespmem:s23], [sflag:$0x1], $0x80, v4, vm0, $0xb8;
	[tilespmem:$0xE080] =	vst v63  }
0x66: {  	v3 =	vadd.s32 v1, v3  }
0x67: {  	[hbm4b:s4+s2] =	stream.indirect_vreg.scatter [tilespmem:s24], [sflag:$0x1], $0x80, v4, vm0, $0xb8;
	[tilespmem:$0xE080] =	vst v63  }
0x68: {  	_ = 	snop  }
0x69: {  	[hbm4b:s5+s2] =	stream.indirect_vreg.scatter [tilespmem:s25], [sflag:$0x1], $0x80, v4, vm0, $0xb8;
	[tilespmem:$0xE080] =	vst v63  }
0x6a: {  	_ = 	snop  }
0x6b: {  	[hbm4b:s3+s2] =	stream.indirect_vreg.scatter [tilespmem:s26], [sflag:$0x1], $0x80, v3, vm0, $0xb8;
	[tilespmem:$0xE080] =	vst v63  }
0x6c: {  	_ = 	snop  }
0x6d: {  	[hbm4b:s4+s2] =	stream.indirect_vreg.scatter [tilespmem:s28], [sflag:$0x1], $0x80, v3, vm0, $0xb8;
	[tilespmem:$0xE080] =	vst v63  }
0x6e: {  	_ = 	snop  }
0x6f: {  	[hbm4b:s5+s2] =	stream.indirect_vreg.scatter [tilespmem:s29], [sflag:$0x1], $0x80, v3, vm0, $0xb8;
	[tilespmem:$0xE080] =	vst v63  }
0x70: {  	s10 =	rddreg [dreg:$0x4]  }
0x71: {  	[hbm4b:s10+s30] =	stream.indirect.scatter [tilespmem:s9], [sflag:$0x2], $0x80, s2, s30, $0xb8;
	[tilespmem:$0xE080] =	vst v63  }
0x72: {  	p0 =	sne.s32 s6, $0x1;
	_ =	swait.ge [sflag:s31], $0xC000  }
.Ltmp0:
0x73: {  	[sflag:s31] =	ssyncset.done $0x0;
	(pc) =	sbr.rel @p0 .LBB2_1-.Ltmp0, $4  }
0x74: {  	[sflag:s31] =	ssyncadd.s32 $0xFFFF4000  }
0x75: {  	_ =	swait.ge [sflag:s1], $0x2000  }
0x76: {  	[sflag:s1] =	ssyncset.done $0x0  }
0x77: {  	s6 =	sadd.s32 $0xFFFFFFFF, s6;
	[sflag:s1] =	ssyncadd.s32 $0xFFFFE000  }
0x78: {  	_ =	sfence.sel $0x180000  }
0x79: {  	[bflag:$0x0] =	sbarrier.arrive $0xFFFF  }
0x7a: {  	_ =	strace $0x90000047  }
0x7b: {  	s0 =	stileid.u32;
	[bflag:$0x2] =	sbarrier.arrive $0xFFFF  }
0x7c: {  	p0 =	sne.s32 s0, $0x0;
	s0 =	rddreg [dreg:$0x3]  }
0x7d: {  	s0 =	sadd.s32 @!p0 $0x100000, s0  }
0x7e: {  	[sflag:s0] =	ssyncadd.tile.s32 @!p0 $0x1;
	_ =	shalt  }
.Lfunc_end2:
_tile_overlayer_lowered:
.L_overlay_start_2:
0x7f: {  	(tag) =	ssettag $0x2  }
0x80: {  	s0 =	rddreg [dreg:$0x0];
	s2 =	stileid.u32  }
0x81: {  	s1 =	rddreg [dreg:$0x1];
	p0 =	sne.s32 s2, $0x0  }
0x82: {  	s3 =	rddreg [dreg:$0x2];
	[bflag:$0x3] =	sbarrier.arrive $0xFFFF;
	s2 =	simm.s32 @!p0 $0x1C03  }
0x83: {  	[timem:s3], [sflag:s2] =	dma.local @!p0 [hbm:s0], s1  }
0x84: {  	s0 =	simm.s32 @!p0 $0x3  }
0x85: {  	_ =	swait.ge @!p0 [sflag:s0], s1  }
0x86: {  	s1 =	ssub.s32 @!p0 $0x0, s1;
	[sflag:s0] =	ssyncset.done @!p0 $0x0  }
0x87: {  	[sflag:s0] =	ssyncadd.s32 @!p0 s1  }
0x88: {  	[bflag:$0x3] =	sbarrier.arrive $0xFFFF  }
0x89: {  	_ =	shalt  }

// kernel: kernel.9.cloned.1.call-start
scs
__scs_entry_jumppad:
0x0: {  	(pc) =	sbr.rel $0x88, $3  }
0x1: {  	(tag) =	ssettag $0x0;
	lr =	simm.s32 $0x1  }
0x2: {  	[smem:$0x3F9C] =	sst lr;
	_ =	strace $0xD0000000  }
0x3: {  	_ = 	snop  }
0x4: {  	_ = 	snop  }
0x5: {  	_ = 	snop  }
0x6: {  	_ = 	snop  }
0x7: {  	_ = 	snop  }
__scs_overlays_trampoline_lowered:
0x8: {  	[smem:$0x3FAB] =	sst s0  }
0x9: {  	[smem:$0x3FAC] =	sst s1  }
0xa: {  	[smem:$0x3FAD] =	sst s2  }
0xb: {  	[smem:$0x3FAE] =	sst s3  }
0xc: {  	[smem:$0x3FAF] =	sst s4  }
0xd: {  	[smem:$0x3FB0] =	sst s5  }
0xe: {  	[smem:$0x3FB1] =	sst s6  }
0xf: {  	[smem:$0x3FB2] =	sst s7  }
0x10: {  	[smem:$0x3FB3] =	sst s8  }
0x11: {  	[smem:$0x3FB4] =	sst s9;
	s0 =	simm.s32 @!p0 $0x0  }
0x12: {  	s1 =	sld [smem:$0x3F9A];
	s0 =	simm.s32 @p0 $0x1  }
0x13: {  	[smem:$0x3FB5] =	sst s0;
	s0 =	simm.s32 @!p1 $0x0  }
0x14: {  	s2 =	sld [smem:$0x3F99];
	s0 =	simm.s32 @p1 $0x1  }
0x15: {  	[smem:$0x3FB6] =	sst s0;
	s0 =	simm.s32 @!p2 $0x0  }
0x16: {  	s3 =	sld [smem:$0x3FDB];
	s0 =	simm.s32 @p2 $0x1  }
0x17: {  	s4 =	simm.s32 $0x1BF5;
	[smem:$0x3FB8] =	sst s0  }
0x18: {  	s0 =	sld [smem:$0x3F9B];
	_ =	swait.ge [sflag:s4], $0x0  }
0x19: {  	s7 =	sld [smem:$0x3F9C]  }
0x1a: {  	s8 =	sadd.s32 $0xFFFFE003, lr  }
0x1b: {  	s9 =	sadd.s32 $0xFFFFFEF7, lr;
	s5 =	simm.s32 $0xFFFFFFFF;
	p2 =	slt.u32 s8, $0xFFFFF086  }
0x1c: {  	p1 =	slt.u32 s9, $0xF7A;
	s5 =	simm.s32 @!p2 $0x0  }
0x1d: {  	s5 =	simm.s32 @p1 $0x1;
	p0 =	seq.s32 s7, s2  }
0x1e: {  	s7 =	smul.u32 @!p0 $0xF7A, s2;
	p2 =	seq.s32 @!p0 s5, $0x0  }
0x1f: {  	s9 =	smul.u32 $0xF7A, s1;
	s8 =	simm.s32 @!p0 $0x1BF5;
	p2 =	por !p2, p0  }
0x20: {  	[sflag:s8] =	ssyncset.s32 @!p0 $0xFFFFF086;
	s6 =	sadd.s32 @!p0 s3, s7;
	s7 =	simm.s32 @!p0 $0x108  }
0x21: {  	s3 =	sadd.s32 s3, s9;
	s6 =	sadd.s32 @!p0 $0x88, s6;
	s7 =	simm.s32 @p2 $0x1082  }
0x22: {  	[simem:s7], [sflag:s8] =	dma.local @!p0 [hbm:s6], $0xF7A  }
0x23: {  	s9 =	sor.u32 $0xD0000000, s2;
	s6 =	simm.s32 $0x108;
	_ =	swait.ge @!p0 [sflag:s8], $0x0  }
0x24: {  	s3 =	sadd.s32 $0x88, s3;
	s6 =	simm.s32 @!p1 $0x1082;
	[sflag:s4] =	ssyncset.s32 $0xFFFFF086  }
0x25: {  	[simem:s6], [sflag:s4] =	dma.local [hbm:s3], $0xF7A  }
0x26: {  	[smem:$0x3F9C] =	sst s1;
	(tag) =	ssettag s2;
	_ =	strace s9  }
0x27: {  	s1 =	sld [smem:$0x3FAC]  }
0x28: {  	s2 =	sld [smem:$0x3FAD]  }
0x29: {  	s4 =	sld [smem:$0x3FAF]  }
0x2a: {  	p0 =	seq.s32 s5, $0x0;
	s5 =	sld [smem:$0x3FB0]  }
0x2b: {  	s6 =	sld [smem:$0x3FB1]  }
0x2c: {  	s7 =	sld [smem:$0x3FB2]  }
0x2d: {  	s3 =	simm.s32 $0x108;
	s8 =	sld [smem:$0x3FB3]  }
0x2e: {  	s3 =	simm.s32 @!p0 $0x1082;
	s9 =	sld [smem:$0x3FB4]  }
0x2f: {  	lr =	sadd.s32 s0, s3;
	s0 =	sld [smem:$0x3FAB]  }
0x30: {  	s3 =	sld [smem:$0x3FAE]  }
0x31: {  	[smem:$0x3FB7] =	sst s10  }
0x32: {  	s10 =	sld [smem:$0x3FB5];
	_ =	sdelay $0x3  }
0x33: {  	p0 =	seq.s32 s10, $0x1;
	s10 =	sld [smem:$0x3FB7];
	_ =	sdelay $0x3  }
0x34: {  	[smem:$0x3FB7] =	sst s10  }
0x35: {  	s10 =	sld [smem:$0x3FB6];
	_ =	sdelay $0x3  }
0x36: {  	p1 =	seq.s32 s10, $0x1;
	s10 =	sld [smem:$0x3FB7];
	_ =	sdelay $0x3  }
0x37: {  	[smem:$0x3FB7] =	sst s10  }
0x38: {  	s10 =	sld [smem:$0x3FB8]  }
0x39: {  	_ = 	snop;
	(pc) =	sbr.ind lr, $3  }
0x3a: {  	_ = 	snop  }
0x3b: {  	_ = 	snop  }
0x3c: {  	p2 =	seq.s32 s10, $0x1;
	s10 =	sld [smem:$0x3FB7]  }
0x3d: {  	_ =	shalt  }
0x3e: {  	_ =	shalt  }
0x3f: {  	_ =	shalt  }
0x40: {  	_ =	shalt  }
0x41: {  	_ =	shalt  }
0x42: {  	_ =	shalt  }
0x43: {  	_ =	shalt  }
0x44: {  	_ =	shalt  }
0x45: {  	_ =	shalt  }
0x46: {  	_ =	shalt  }
0x47: {  	_ =	shalt  }
0x48: {  	_ =	shalt  }
0x49: {  	_ =	shalt  }
0x4a: {  	_ =	shalt  }
0x4b: {  	_ =	shalt  }
0x4c: {  	_ =	shalt  }
0x4d: {  	_ =	shalt  }
0x4e: {  	_ =	shalt  }
0x4f: {  	_ =	shalt  }
0x50: {  	_ =	shalt  }
0x51: {  	_ =	shalt  }
0x52: {  	_ =	shalt  }
0x53: {  	_ =	shalt  }
0x54: {  	_ =	shalt  }
0x55: {  	_ =	shalt  }
0x56: {  	_ =	shalt  }
0x57: {  	_ =	shalt  }
0x58: {  	_ =	shalt  }
0x59: {  	_ =	shalt  }
0x5a: {  	_ =	shalt  }
0x5b: {  	_ =	shalt  }
0x5c: {  	_ =	shalt  }
0x5d: {  	_ =	shalt  }
0x5e: {  	_ =	shalt  }
0x5f: {  	_ =	shalt  }
0x60: {  	_ =	shalt  }
0x61: {  	_ =	shalt  }
0x62: {  	_ =	shalt  }
0x63: {  	_ =	shalt  }
0x64: {  	_ =	shalt  }
0x65: {  	_ =	shalt  }
0x66: {  	_ =	shalt  }
0x67: {  	_ =	shalt  }
0x68: {  	_ =	shalt  }
0x69: {  	_ =	shalt  }
0x6a: {  	_ =	shalt  }
0x6b: {  	_ =	shalt  }
0x6c: {  	_ =	shalt  }
0x6d: {  	_ =	shalt  }
0x6e: {  	_ =	shalt  }
0x6f: {  	_ =	shalt  }
0x70: {  	_ =	shalt  }
0x71: {  	_ =	shalt  }
0x72: {  	_ =	shalt  }
0x73: {  	_ =	shalt  }
0x74: {  	_ =	shalt  }
0x75: {  	_ =	shalt  }
0x76: {  	_ =	shalt  }
0x77: {  	_ =	shalt  }
0x78: {  	_ =	shalt  }
0x79: {  	_ =	shalt  }
0x7a: {  	_ =	shalt  }
0x7b: {  	_ =	shalt  }
0x7c: {  	_ =	shalt  }
0x7d: {  	_ =	shalt  }
0x7e: {  	_ =	shalt  }
0x7f: {  	_ =	shalt  }
0x80: {  	_ =	shalt  }
0x81: {  	_ =	shalt  }
0x82: {  	_ =	shalt  }
0x83: {  	_ =	shalt  }
0x84: {  	_ =	shalt  }
0x85: {  	_ =	shalt  }
0x86: {  	_ =	shalt  }
0x87: {  	_ =	shalt  }
.Lfunc_end0:
.L_simem_size_0:
called_computation.1_lowered:
.L_overlay_start_0:
0x88: {  	s2 =	sld [smem:$0x3FD9]  }
0x89: {  	s3 =	sld [smem:$0x3FFE];
	_ =	sdelay $0x1  }
0x8a: {  	s1 =	srdreg.scid  }
0x8b: {  	s0 =	sand.u32 $0x1, s1  }
0x8c: {  	s14 =	sshll.u32 s0, $0xA;
	s2 =	sadd.s32 s3, s2  }
0x8d: {  	s2 =	sadd.s32 s2, s14  }
0x8e: {  	[smem:$0x3FC3] =	sst s2  }
0x8f: {  	_ = 	snop  }
0x90: {  	s2 =	sld [smem:$0x3FD0];
	_ =	sdelay $0x2  }
0x91: {  	s15 =	simm.s32 $0xA;
	s4 =	simm.s32 $0x10  }
0x92: {  	[smem:s4], [sflag:s15] =	dma.local [hbm:s2], $0x1  }
0x93: {  	_ =	swait.eq [sflag:s15], $0x1  }
0x94: {  	[sflag:s15] =	ssyncset.done $0x0  }
0x95: {  	[sflag:s15] =	ssyncadd.s32 $0xFFFFFFFF  }
0x96: {  	s16 =	sld [smem:$0x10];
	(tm) =	ssettm $0x1  }
0x97: {  	s17 =	sld [smem:$0x3FFB];
	_ =	sdelay $0x3  }
0x98: {  	_ =	strace s17  }
0x99: {  	s3 =	sld [smem:$0x3FFC];
	_ =	sdelay $0x3  }
0x9a: {  	_ =	strace s3  }
0x9b: {  	s3 =	sld [smem:$0x3FFD];
	_ =	sdelay $0x3  }
0x9c: {  	_ =	strace s3  }
0x9d: {  	_ =	strace $0x8FFFFFFF  }
0x9e: {  	s18 =	sld [smem:$0x3FDB];
	_ =	sdelay $0x1  }
0x9f: {  	s19 =	simm.s32 $_scs_section_size  }
0xa0: {  	s5 =	simm.s32 $_size__tile_overlayer_lowered;
	s6 =	simm.s32 $_tile_overlayer_lowered  }
0xa1: {  	s22 =	simm.s32 $0x1BFF;
	s21 =	sshll.u32 s6, $0x1;
	s3 =	sadd.s32 s19, s18  }
0xa2: {  	s7 =	simm.s32 $0x0;
	s20 =	sshll.u32 s5, $0x1;
	s5 =	sadd.s32 s21, s3  }
0xa3: {  	[timem:s7], [sflag:s22] =	dma.local [hbm:s5], s20  }
0xa4: {  	_ =	swait.ge [sflag:s22], s20  }
0xa5: {  	s4 =	ssub.s32 $0x0, s20;
	[sflag:s22] =	ssyncset.done $0x0  }
0xa6: {  	[sflag:s22] =	ssyncadd.s32 s4;
	_ =	sdelay $0x1  }
0xa7: {  	s23 =	simm.s32 $0x1B8B  }
0xa8: {  	_ =	swait.ge [sflag:s23], $0x1  }
0xa9: {  	[sflag:s23] =	ssyncset.done $0x0  }
0xaa: {  	s25 =	simm.s32 $0x1B8E;
	s24 =	sld [smem:$0x3FFE];
	[sflag:s23] =	ssyncadd.s32 $0xFFFFFFFF  }
0xab: {  	s26 =	simm.s32 $execute0_lowered;
	[smem:$0x3FD2] =	sst s25  }
0xac: {  	s5 =	sshll.u32 s26, $0x1;
	_ =	strace $0x80000049;
	[dreg:$0x1] =	wrdreg $0xFFFFFFFF  }
0xad: {  	s28 =	simm.s32 $_size_execute0_lowered;
	s3 =	sadd.s32 s3, s5;
	[dreg:$0x0] =	wrdreg $0x0  }
0xae: {  	s5 =	sshll.u32 s28, $0x1;
	[dreg:$0x2] =	wrdreg s3  }
0xaf: {  	[dreg:$0x3] =	wrdreg s5  }
0xb0: {  	[dreg:$0x4] =	wrdreg $0xC0  }
0xb1: {  	_ =	task [dreg:s7], $0x5FFFF  }
0xb2: {  	[dreg:$0x1] =	wrdreg $0xFFFFFFFF  }
0xb3: {  	[dreg:$0x0] =	wrdreg $0x60  }
0xb4: {  	[dreg:$0x2] =	wrdreg s24  }
0xb5: {  	[dreg:$0x3] =	wrdreg s16  }
0xb6: {  	[dreg:$0x4] =	wrdreg $0x9  }
0xb7: {  	_ =	task.clear_ibuf [dreg:s7], $0x5FFFF;
	_ =	strace $0x90000049  }
0xb8: {  	s29 =	simm.s32 $0x9;
	_ =	strace $0x8000004B  }
0xb9: {  	_ =	swait.ge [sflag:s29], $0x1  }
0xba: {  	[sflag:s29] =	ssyncadd.s32 $0xFFFFFFFF  }
0xbb: {  	_ =	strace $0x9000004B  }
0xbc: {  	_ =	sfence  }
0xbd: {  	s30 =	sld [smem:$0x0];
	_ =	sdelay $0x2  }
0xbe: {  	s31 =	sshll.u32 s1, $0xD;
	s1 =	sshrl.u32 s1, $0x2  }
0xbf: {  	s3 =	sand.u32 $0x4000, s31;
	s1 =	sadd.s32 s1, s30  }
0xc0: {  	s0 =	sor.u32 s3, s0;
	s1 =	sshll.u32 s1, $0x11  }
0xc1: {  	s0 =	sor.u32 s1, s0  }
0xc2: {  	s0 =	sadd.s32 $0x8F2B, s0  }
0xc3: {  	[sflag:s0] =	ssyncadd.remote.s32 $0x1  }
0xc4: {  	_ =	sfence.sel $0xFFFF  }
0xc5: {  	[dreg:$0x0] =	wrdreg $0xFFFFFFFF;
	(pc) =	sbr.abs _section_cstart, $3  }
0xc6: {  	[dreg:$0x1] =	wrdreg $0xFFFFFFFF  }
0xc7: {  	_ =	task.clear_ibuf [dreg:s7], $0x2FFFF;
	_ =	strace $0x9FFFFFFF  }
0xc8: {  	(tm) =	ssettm $0x7FFFFFFF  }
0xc9: {  	_ =	shalt  }
tec
execute0_lowered:
.L_overlay_start_1:
0x0: {  	(tag) =	ssettag $0x1  }
0x1: {  	s0 =	rddreg [dreg:$0x0]  }
0x2: {  	s5 =	rddreg [dreg:$0x1];
	s3 =	srdreg.scid  }
0x3: {  	s2 =	simm.s32 $0x0;
	s1 =	stileid.u32;
	s26 =	simm.s32 $0x880  }
0x4: {  	s10 =	simm.s32 $0x1880;
	s11 =	simm.s32 $0x2080;
	s12 =	simm.s32 $0x2880  }
0x5: {  	s13 =	simm.s32 $0x3080;
	s14 =	simm.s32 $0x3880;
	s15 =	simm.s32 $0x4080  }
0x6: {  	s16 =	simm.s32 $0x4880;
	s17 =	simm.s32 $0x5080;
	s18 =	simm.s32 $0x5880  }
0x7: {  	s19 =	simm.s32 $0x6080;
	s20 =	simm.s32 $0x6880;
	s21 =	simm.s32 $0x7080  }
0x8: {  	s22 =	simm.s32 $0x7880;
	s28 =	simm.s32 $0xA080;
	s29 =	simm.s32 $0xA880  }
0x9: {  	s30 =	simm.s32 $0xB080;
	s31 =	simm.s32 $0xB880;
	s3 =	sand.u32 $0x1, s3  }
0xa: {  	[smem:$0x7FF] =	sst s2;
	s4 =	sshll.u32 s1, $0x4;
	s6 =	sshll.u32 s3, $0x3  }
0xb: {  	_ =	strace $0x8000004A;
	s23 =	ssub.s32 $0x2, s3;
	s3 =	sadd.s32 $0x98800, s0  }
0xc: {  	[dreg:$0x5] =	wrdreg s26;
	s26 =	simm.s32 $0x9880;
	s4 =	sor.u32 s6, s4  }
0xd: {  	s8 =	sshrl.u32 s23, $0x1;
	s7 =	sadd.s32 s4, s0;
	s9 =	smul.u32 $0x300, s4  }
0xe: {  	s6 =	ssub.s32 s23, s8;
	s4 =	sadd.s32 $0x98900, s0;
	s8 =	simm.s32 $0x80  }
0xf: {  	s23 =	simm.s32 $0x8080;
	s24 =	sadd.s32 $0x9E00, s7;
	s6 =	smax.u32 s6, $0x1  }
0x10: {  	v2 =	vlaneseq.u32;
	s7 =	simm.s32 $0x2;
	[dreg:$0x3] =	wrdreg s24;
	s25 =	sadd.s32 s5, s9  }
0x11: {  	vm0 =	vmmov $0xffff;
	v1 =	vshrl.u32 v2, $0x3;
	s5 =	sadd.s32 $0x98A00, s0;
	s9 =	simm.s32 $0x1080;
	s24 =	simm.s32 $0x8880  }
0x12: {  	v0 =	vand.u32 $0x7, v2;
	v2 =	vor.u32 $0x8, v2;
	v1 =	vmul.u32 $0x8, v1;
	s0 =	simm.s32 $0x1;
	[dreg:$0x4] =	wrdreg s25;
	s25 =	simm.s32 $0x9080  }
.LBB2_1:
0x13: {  	s1 =	rddreg [dreg:$0x3]  }
0x14: {  	[tilespmem:s2], [sflag:$0x2] =	stream.linear.gather [hbm4b:s1+s2], $0x40, $0x38;
	[tilespmem:$0xC080] =	vst v63  }
0x15: {  	_ =	swait.ge [sflag:s7], $0x40  }
0x16: {  	[sflag:s7] =	ssyncset.done $0x0  }
0x17: {  	[sflag:s7] =	ssyncadd.s32 $0xFFFFFFC0  }
0x18: {  	v3 =	vld [tilespmem:$0x0];
	_ =	sdelay $0x4  }
0x19: {  	v4 =	vshrl.u32 v3, $0x3  }
0x1a: {  	v4 =	vmul.u32 $0x30, v4  }
0x1b: {  	v3 =	vand.u32 $0x7, v3  }
0x1c: {  	v3 =	vor.u32 v3, v4  }
0x1d: {  	v4 =	vperm.xlane v3, v0;
	_ =	sdelay $0x1  }
0x1e: {  	v4 =	vadd.s32 v1, v4;
	_ =	sdelay $0x3  }
0x1f: {  	v3 =	vperm.xlane v3, v2  }
0x20: {  	[tilespmem:s8], [sflag:$0x1] =	stream.indirect_vreg.gather [hbm4b:s3+s2], $0x80, v4, vm0, $0xb8;
	[tilespmem:$0xC080] =	vst v63  }
0x21: {  	s1 =	rddreg [dreg:$0x5];
	v3 =	vadd.s32 v1, v3  }
0x22: {  	[tilespmem:s1], [sflag:$0x1] =	stream.indirect_vreg.gather [hbm4b:s4+s2], $0x80, v4, vm0, $0xb8;
	[tilespmem:$0xC080] =	vst v63  }
0x23: {  	_ = 	snop  }
0x24: {  	[tilespmem:s9], [sflag:$0x1] =	stream.indirect_vreg.gather [hbm4b:s5+s2], $0x80, v4, vm0, $0xb8;
	[tilespmem:$0xC080] =	vst v63  }
0x25: {  	_ = 	snop  }
0x26: {  	[tilespmem:s10], [sflag:$0x1] =	stream.indirect_vreg.gather [hbm4b:s3+s2], $0x80, v3, vm0, $0xb8;
	[tilespmem:$0xC080] =	vst v63  }
0x27: {  	_ = 	snop  }
0x28: {  	[tilespmem:s11], [sflag:$0x1] =	stream.indirect_vreg.gather [hbm4b:s4+s2], $0x80, v3, vm0, $0xb8;
	[tilespmem:$0xC080] =	vst v63  }
0x29: {  	_ = 	snop  }
0x2a: {  	[tilespmem:s12], [sflag:$0x1] =	stream.indirect_vreg.gather [hbm4b:s5+s2], $0x80, v3, vm0, $0xb8;
	[tilespmem:$0xC080] =	vst v63  }
0x2b: {  	v3 =	vld [tilespmem:$0x10];
	_ =	sdelay $0x4  }
0x2c: {  	v61 =	vshrl.u32 v3, $0x3  }
0x2d: {  	v4 =	vmul.u32 $0x30, v61  }
0x2e: {  	v3 =	vand.u32 $0x7, v3  }
0x2f: {  	v3 =	vor.u32 v3, v4  }
0x30: {  	v4 =	vperm.xlane v3, v0;
	_ =	sdelay $0x1  }
0x31: {  	v4 =	vadd.s32 v1, v4;
	_ =	sdelay $0x3  }
0x32: {  	v3 =	vperm.xlane v3, v2  }
0x33: {  	[tilespmem:s13], [sflag:$0x1] =	stream.indirect_vreg.gather [hbm4b:s3+s2], $0x80, v4, vm0, $0xb8;
	[tilespmem:$0xC080] =	vst v63  }
0x34: {  	v3 =	vadd.s32 v1, v3  }
0x35: {  	[tilespmem:s14], [sflag:$0x1] =	stream.indirect_vreg.gather [hbm4b:s4+s2], $0x80, v4, vm0, $0xb8;
	[tilespmem:$0xC080] =	vst v63  }
0x36: {  	_ = 	snop  }
0x37: {  	[tilespmem:s15], [sflag:$0x1] =	stream.indirect_vreg.gather [hbm4b:s5+s2], $0x80, v4, vm0, $0xb8;
	[tilespmem:$0xC080] =	vst v63  }
0x38: {  	_ = 	snop  }
0x39: {  	[tilespmem:s16], [sflag:$0x1] =	stream.indirect_vreg.gather [hbm4b:s3+s2], $0x80, v3, vm0, $0xb8;
	[tilespmem:$0xC080] =	vst v63  }
0x3a: {  	_ = 	snop  }
0x3b: {  	[tilespmem:s17], [sflag:$0x1] =	stream.indirect_vreg.gather [hbm4b:s4+s2], $0x80, v3, vm0, $0xb8;
	[tilespmem:$0xC080] =	vst v63  }
0x3c: {  	_ = 	snop  }
0x3d: {  	[tilespmem:s18], [sflag:$0x1] =	stream.indirect_vreg.gather [hbm4b:s5+s2], $0x80, v3, vm0, $0xb8;
	[tilespmem:$0xC080] =	vst v63  }
0x3e: {  	v3 =	vld [tilespmem:$0x20];
	_ =	sdelay $0x4  }
0x3f: {  	v62 =	vshrl.u32 v3, $0x3  }
0x40: {  	v4 =	vmul.u32 $0x30, v62  }
0x41: {  	v3 =	vand.u32 $0x7, v3  }
0x42: {  	v3 =	vor.u32 v3, v4  }
0x43: {  	v4 =	vperm.xlane v3, v0;
	_ =	sdelay $0x1  }
0x44: {  	v4 =	vadd.s32 v1, v4;
	_ =	sdelay $0x3  }
0x45: {  	v3 =	vperm.xlane v3, v2  }
0x46: {  	[tilespmem:s19], [sflag:$0x1] =	stream.indirect_vreg.gather [hbm4b:s3+s2], $0x80, v4, vm0, $0xb8;
	[tilespmem:$0xC080] =	vst v63  }
0x47: {  	v3 =	vadd.s32 v1, v3  }
0x48: {  	[tilespmem:s20], [sflag:$0x1] =	stream.indirect_vreg.gather [hbm4b:s4+s2], $0x80, v4, vm0, $0xb8;
	[tilespmem:$0xC080] =	vst v63  }
0x49: {  	_ = 	snop  }
0x4a: {  	[tilespmem:s21], [sflag:$0x1] =	stream.indirect_vreg.gather [hbm4b:s5+s2], $0x80, v4, vm0, $0xb8;
	[tilespmem:$0xC080] =	vst v63  }
0x4b: {  	_ = 	snop  }
0x4c: {  	[tilespmem:s22], [sflag:$0x1] =	stream.indirect_vreg.gather [hbm4b:s3+s2], $0x80, v3, vm0, $0xb8;
	[tilespmem:$0xC080] =	vst v63  }
0x4d: {  	_ = 	snop  }
0x4e: {  	[tilespmem:s23], [sflag:$0x1] =	stream.indirect_vreg.gather [hbm4b:s4+s2], $0x80, v3, vm0, $0xb8;
	[tilespmem:$0xC080] =	vst v63  }
0x4f: {  	_ = 	snop  }
0x50: {  	[tilespmem:s24], [sflag:$0x1] =	stream.indirect_vreg.gather [hbm4b:s5+s2], $0x80, v3, vm0, $0xb8;
	[tilespmem:$0xC080] =	vst v63  }
0x51: {  	v3 =	vld [tilespmem:$0x30];
	_ =	sdelay $0x4  }
0x52: {  	v63 =	vshrl.u32 v3, $0x3  }
0x53: {  	v4 =	vmul.u32 $0x30, v63  }
0x54: {  	v3 =	vand.u32 $0x7, v3  }
0x55: {  	v3 =	vor.u32 v3, v4  }
0x56: {  	v4 =	vperm.xlane v3, v0;
	_ =	sdelay $0x1  }
0x57: {  	v4 =	vadd.s32 v1, v4;
	_ =	sdelay $0x3  }
0x58: {  	v3 =	vperm.xlane v3, v2  }
0x59: {  	[tilespmem:s25], [sflag:$0x1] =	stream.indirect_vreg.gather [hbm4b:s3+s2], $0x80, v4, vm0, $0xb8;
	[tilespmem:$0xC080] =	vst v63  }
0x5a: {  	v3 =	vadd.s32 v1, v3  }
0x5b: {  	[tilespmem:s26], [sflag:$0x1] =	stream.indirect_vreg.gather [hbm4b:s4+s2], $0x80, v4, vm0, $0xb8;
	[tilespmem:$0xC080] =	vst v63  }
0x5c: {  	_ = 	snop  }
0x5d: {  	[tilespmem:s28], [sflag:$0x1] =	stream.indirect_vreg.gather [hbm4b:s5+s2], $0x80, v4, vm0, $0xb8;
	[tilespmem:$0xC080] =	vst v63  }
0x5e: {  	_ = 	snop  }
0x5f: {  	[tilespmem:s29], [sflag:$0x1] =	stream.indirect_vreg.gather [hbm4b:s3+s2], $0x80, v3, vm0, $0xb8;
	[tilespmem:$0xC080] =	vst v63  }
0x60: {  	_ = 	snop  }
0x61: {  	[tilespmem:s30], [sflag:$0x1] =	stream.indirect_vreg.gather [hbm4b:s4+s2], $0x80, v3, vm0, $0xb8;
	[tilespmem:$0xC080] =	vst v63  }
0x62: {  	_ = 	snop  }
0x63: {  	[tilespmem:s31], [sflag:$0x1] =	stream.indirect_vreg.gather [hbm4b:s5+s2], $0x80, v3, vm0, $0xb8;
	[tilespmem:$0xC080] =	vst v63  }
0x64: {  	_ =	swait.ge [sflag:s0], $0xC000  }
0x65: {  	p0 =	sne.s32 s6, $0x1;
	[sflag:s0] =	ssyncset.done $0x0  }
.Ltmp0:
0x66: {  	s1 =	rddreg [dreg:$0x4];
	[sflag:s0] =	ssyncadd.s32 $0xFFFF4000;
	(pc) =	sbr.rel @p0 .LBB2_1-.Ltmp0, $4  }
0x67: {  	[hbm4b:s1+s2] =	stream.linear.scatter [tilespmem:s8], [sflag:$0x2], $0xC000, $0x38;
	[tilespmem:$0xC080] =	vst v63  }
0x68: {  	_ =	swait.ge [sflag:s7], $0xC000  }
0x69: {  	[sflag:s7] =	ssyncset.done $0x0  }
0x6a: {  	s6 =	sadd.s32 $0xFFFFFFFF, s6;
	[sflag:s7] =	ssyncadd.s32 $0xFFFF4000  }
0x6b: {  	_ =	sfence.sel $0x180000  }
0x6c: {  	[bflag:$0x0] =	sbarrier.arrive $0xFFFF  }
0x6d: {  	_ =	strace $0x9000004A  }
0x6e: {  	s0 =	stileid.u32;
	[bflag:$0x2] =	sbarrier.arrive $0xFFFF  }
0x6f: {  	p0 =	sne.s32 s0, $0x0;
	s0 =	rddreg [dreg:$0x2]  }
0x70: {  	s0 =	sadd.s32 @!p0 $0x100000, s0  }
0x71: {  	[sflag:s0] =	ssyncadd.tile.s32 @!p0 $0x1;
	_ =	shalt  }
.Lfunc_end2:
_tile_overlayer_lowered:
.L_overlay_start_2:
0x72: {  	(tag) =	ssettag $0x2  }
0x73: {  	s0 =	rddreg [dreg:$0x0];
	s2 =	stileid.u32  }
0x74: {  	s1 =	rddreg [dreg:$0x1];
	p0 =	sne.s32 s2, $0x0  }
0x75: {  	s3 =	rddreg [dreg:$0x2];
	[bflag:$0x3] =	sbarrier.arrive $0xFFFF;
	s2 =	simm.s32 @!p0 $0x1C02  }
0x76: {  	[timem:s3], [sflag:s2] =	dma.local @!p0 [hbm:s0], s1  }
0x77: {  	s0 =	simm.s32 @!p0 $0x2  }
0x78: {  	_ =	swait.ge @!p0 [sflag:s0], s1  }
0x79: {  	s1 =	ssub.s32 @!p0 $0x0, s1;
	[sflag:s0] =	ssyncset.done @!p0 $0x0  }
0x7a: {  	[sflag:s0] =	ssyncadd.s32 @!p0 s1  }
0x7b: {  	[bflag:$0x3] =	sbarrier.arrive $0xFFFF  }
0x7c: {  	_ =	shalt  }

</sc_bundles>
